<compile_context>
chip_gen: v7x
topology: tpu7x:2x2x1
jax: 0.10.2.dev20260603
libtpu: 0.0.44.dev20260713+nightly
codegen_flags: <defaults>
</compile_context>

<pallas_src>
import functools

import jax
import jax.numpy as jnp
from jax import lax
from jax.experimental import pallas as pl
from jax.experimental.pallas import tpu as pltpu
from jax.experimental.pallas import tpu_sc as plsc

IMAGE_TOKEN_ID = 151655


@functools.lru_cache(maxsize=None)
def _build_sc_kernel(seq_len: int, hidden: int, num_img: int):
    info = plsc.get_sparse_core_info()
    nc, ns, lanes = info.num_cores, info.num_subcores, info.num_lanes
    nw = nc * ns
    assert seq_len % nw == 0
    chunk = seq_len // nw
    assert chunk == lanes
    nchunks = seq_len // lanes
    rpw = num_img // nw
    assert rpw * nw == num_img and rpw <= lanes
    assert seq_len - num_img == nw * rpw

    mesh = plsc.VectorSubcoreMesh(core_axis_name="c", subcore_axis_name="s")

    @functools.partial(
        pl.kernel,
        out_type=jax.ShapeDtypeStruct((seq_len, hidden), jnp.float32),
        mesh=mesh,
        compiler_params=pltpu.CompilerParams(needs_layout_passes=False),
        scratch_types=[
            pltpu.VMEM((seq_len,), jnp.int32),
            pltpu.VMEM((rpw,), jnp.int32),
            pltpu.VMEM((rpw,), jnp.int32),
            pltpu.VMEM((rpw,), jnp.int32),
            pltpu.VMEM((lanes,), jnp.int32),
            pltpu.VMEM((lanes,), jnp.int32),
            pltpu.VMEM((lanes,), jnp.int32),
            pltpu.VMEM((lanes,), jnp.int32),
            pltpu.VMEM((lanes, hidden), jnp.float32),
            pltpu.VMEM((lanes, hidden), jnp.float32),
            pltpu.SemaphoreType.DMA,
            pltpu.SemaphoreType.DMA,
            pltpu.SemaphoreType.DMA,
            pltpu.SemaphoreType.DMA,
        ],
    )
    def sc_kernel(emb_hbm, img_hbm, ids_hbm, out_hbm,
                  ids_v, tpos_v, tidx_v, ipos_v,
                  idx_text_v, idx_img_v, pos_text_v, pos_img_v,
                  text_v, img_v, sem_a, sem_b, sem_c, sem_d):
        wid = lax.axis_index("c") * ns + lax.axis_index("s")
        base = wid * chunk
        r0 = wid * rpw

        g_img = pltpu.async_copy(
            img_hbm.at[pl.ds(r0, rpw)], img_v.at[pl.ds(0, rpw)], sem_b)

        pltpu.sync_copy(ids_hbm, ids_v)

        lane = lax.iota(jnp.int32, lanes)
        zero = jnp.zeros((lanes,), jnp.int32)

        def scan_body(j, carry):
            iprefix, tprefix, nbefore, my_ids = carry
            v = ids_v[pl.ds(pl.multiple_of(j * lanes, lanes), lanes)]
            m = v == IMAGE_TOKEN_ID
            ci = plsc.cumsum(m.astype(jnp.int32))
            irank = iprefix + ci - 1
            trank = tprefix + (lane + 1 - ci) - 1
            posj = j * lanes + lane
            til = irank - r0
            sel_i = jnp.logical_and(m, jnp.logical_and(til >= 0, til < rpw))
            plsc.store_scatter(ipos_v, [jnp.clip(til, 0, rpw - 1)], posj,
                               mask=sel_i)
            ttl = trank - r0
            sel_t = jnp.logical_and(jnp.logical_not(m),
                                    jnp.logical_and(ttl >= 0, ttl < rpw))
            ttl_c = jnp.clip(ttl, 0, rpw - 1)
            plsc.store_scatter(tpos_v, [ttl_c], posj, mask=sel_t)
            plsc.store_scatter(tidx_v, [ttl_c], v, mask=sel_t)
            cnt = plsc.all_reduce_population_count(m)
            return (iprefix + cnt,
                    tprefix + (lanes - cnt),
                    nbefore + jnp.where(j < wid, cnt, 0),
                    jnp.where(j == wid, v, my_ids))

        iprefix, tprefix, nbefore, my_ids = lax.fori_loop(
            0, nchunks, scan_body, (zero, zero, zero, zero))

        n_img_tot = jnp.max(iprefix)

        @pl.when(n_img_tot == num_img)
        def _():
            g_txt = pltpu.async_copy(
                emb_hbm.at[tidx_v], text_v.at[pl.ds(0, rpw)], sem_a)
            g_img.wait()
            s_img = pltpu.async_copy(
                img_v.at[pl.ds(0, rpw)], out_hbm.at[ipos_v], sem_c)
            g_txt.wait()
            s_txt = pltpu.async_copy(
                text_v.at[pl.ds(0, rpw)], out_hbm.at[tpos_v], sem_d)
            s_img.wait()
            s_txt.wait()

        @pl.when(n_img_tot != num_img)
        def _():
            g_img.wait()
            mask = my_ids == IMAGE_TOKEN_ID
            n_img = jnp.max(plsc.all_reduce_population_count(mask))
            intra = plsc.cumsum(mask.astype(jnp.int32))
            ordinal = jnp.clip(nbefore + intra - 1, 0, num_img - 1)
            pos = base + lane

            @pl.when(n_img == 0)
            def _():
                idx_text_v[...] = my_ids
                pltpu.async_copy(emb_hbm.at[idx_text_v], text_v, sem_a).wait()
                pltpu.sync_copy(text_v, out_hbm.at[pl.ds(base, lanes)])

            @pl.when(n_img == lanes)
            def _():
                idx_img_v[...] = ordinal
                pltpu.async_copy(img_hbm.at[idx_img_v], img_v, sem_b).wait()
                pltpu.sync_copy(img_v, out_hbm.at[pl.ds(base, lanes)])

            @pl.when(jnp.logical_and(n_img > 0, n_img < lanes))
            def _():
                ft = jnp.min(jnp.where(mask, lanes, lane))
                fi = jnp.min(jnp.where(mask, lane, lanes))
                ftv = zero + ft
                first_text_id = plsc.load_gather(ids_v, [base + ftv])
                idx_text_v[...] = jnp.where(mask, first_text_id, my_ids)
                idx_img_v[...] = jnp.where(
                    mask, ordinal, jnp.clip(nbefore, 0, num_img - 1))
                pos_text_v[...] = jnp.where(mask, base + ft, pos)
                pos_img_v[...] = jnp.where(mask, pos, base + fi)
                cp_t = pltpu.async_copy(emb_hbm.at[idx_text_v], text_v, sem_a)
                cp_i = pltpu.async_copy(img_hbm.at[idx_img_v], img_v, sem_b)
                cp_t.wait()
                st_t = pltpu.async_copy(text_v, out_hbm.at[pos_text_v], sem_c)
                cp_i.wait()
                st_i = pltpu.async_copy(img_v, out_hbm.at[pos_img_v], sem_d)
                st_t.wait()
                st_i.wait()

    return sc_kernel


def kernel(input_ids, image_embeds, embed_weight):
    batch, seq_len = input_ids.shape
    num_img, hidden = image_embeds.shape
    ids = input_ids.reshape(seq_len).astype(jnp.int32)
    sc = _build_sc_kernel(seq_len, hidden, num_img)
    out = sc(embed_weight, image_embeds, ids)
    return out.reshape(batch, seq_len, hidden)

# --- scband reference (transcript-rebuilt; emitter-appended) ---
"""Pipeline reference for scband-neuron-text-encoder-wrapper-2723009265856 (READ-ONLY COPY).

The authoritative reference and input builder live on the scoring server;
editing this copy changes nothing except your own understanding.
"""

import jax, jax.numpy as jnp
import numpy as np

IMAGE_TOKEN_ID = 151655
VOCAB = 151936
HIDDEN = 2048
SEQ_LEN = 512
NUM_IMAGE_TOKENS = 256  # (448 // 14 // 2) ** 2


def setup_inputs(seed: int = 0) -> dict:
    key = jax.random.key(seed)
    k1, k2, k3 = jax.random.split(key, 3)
    # token ids drawn below the special image token id so no accidental image tokens
    input_ids = jax.random.randint(k1, (1, SEQ_LEN), 0, IMAGE_TOKEN_ID, dtype=jnp.int64 if jax.config.jax_enable_x64 else jnp.int32)
    input_ids = input_ids.astype(jnp.int32)
    # place a contiguous block of image tokens (as Qwen2.5-VL does after <|vision_start|>)
    start = 10
    input_ids = input_ids.at[0, start:start + NUM_IMAGE_TOKENS].set(IMAGE_TOKEN_ID)
    image_embeds = jax.random.normal(k2, (NUM_IMAGE_TOKENS, HIDDEN), dtype=jnp.float32)
    embed_weight = jax.random.normal(k3, (VOCAB, HIDDEN), dtype=jnp.float32) * 0.02
    return {"input_ids": input_ids, "image_embeds": image_embeds, "embed_weight": embed_weight}


def reference(input_ids, image_embeds, embed_weight):
    # embed_tokens lookup (nn.Embedding)
    text_embeds = jnp.take(embed_weight, input_ids, axis=0)  # [B, S, H]
    # _merge_embeddings: overwrite image-token positions with image_embeds in order
    image_mask = (input_ids == IMAGE_TOKEN_ID)  # [B, S]
    # ordinal index of each image token within its sequence
    ord_idx = jnp.cumsum(image_mask.astype(jnp.int32), axis=-1) - 1  # [B, S]
    ord_idx = jnp.clip(ord_idx, 0, image_embeds.shape[0] - 1)
    gathered_img = jnp.take(image_embeds, ord_idx, axis=0)  # [B, S, H]
    inputs_embeds = jnp.where(image_mask[..., None], gathered_img, text_embeds)
    return inputs_embeds

if __name__ == "__main__":
    import jax
    _d = setup_inputs()
    print(jax.jit(kernel)(*tuple(_d.values())))

</pallas_src>

<mosaic_0001>
#map = affine_map<(d0, d1) -> (0, 0)>
#map1 = affine_map<(d0, d1) -> (0)>
module attributes {stable_mosaic.version = 14 : i64} {
  func.func @sc_kernel(%arg0: i32, %arg1: i32, %arg2: memref<151936x2048xf32, #tpu.memory_space<hbm>>, %arg3: memref<256x2048xf32, #tpu.memory_space<hbm>>, %arg4: memref<512xi32, #tpu.memory_space<hbm>>, %arg5: memref<512x2048xf32, #tpu.memory_space<hbm>>, %arg6: memref<512xi32, #tpu.memory_space<vmem>>, %arg7: memref<8xi32, #tpu.memory_space<vmem>>, %arg8: memref<8xi32, #tpu.memory_space<vmem>>, %arg9: memref<8xi32, #tpu.memory_space<vmem>>, %arg10: memref<16xi32, #tpu.memory_space<vmem>>, %arg11: memref<16xi32, #tpu.memory_space<vmem>>, %arg12: memref<16xi32, #tpu.memory_space<vmem>>, %arg13: memref<16xi32, #tpu.memory_space<vmem>>, %arg14: memref<16x2048xf32, #tpu.memory_space<vmem>>, %arg15: memref<16x2048xf32, #tpu.memory_space<vmem>>, %arg16: memref<!tpu.dma_semaphore, #tpu.memory_space<semaphore_mem>>, %arg17: memref<!tpu.dma_semaphore, #tpu.memory_space<semaphore_mem>>, %arg18: memref<!tpu.dma_semaphore, #tpu.memory_space<semaphore_mem>>, %arg19: memref<!tpu.dma_semaphore, #tpu.memory_space<semaphore_mem>>) attributes {dimension_semantics = [#tpu.dimension_semantics<core_parallel>, #tpu.dimension_semantics<subcore_parallel>], iteration_bounds = array<i64: 2, 16>, scalar_prefetch = 0 : i64, scratch_operands = 14 : i64, tpu.core_type = #tpu.core_type<sc_vector_subcore>, window_params = [{transform_indices = #map}, {transform_indices = #map}, {transform_indices = #map1}, {transform_indices = #map}]} {
    %mul3A = arith.constant 16 : i32
    %mul3A_0 = arith.muli %arg0, %mul3A : i32
    %add3A = arith.addi %mul3A_0, %arg1 : i32
    %mul3A_1 = arith.constant 16 : i32
    %mul3A_2 = arith.muli %add3A, %mul3A_1 : i32
    %mul3A_3 = arith.constant 8 : i32
    %mul3A_4 = arith.muli %add3A, %mul3A_3 : i32
    %dma_start3A = arith.constant 0 : i32
    %dma_start3A_5 = arith.constant 0 : i32
    %dma_start3A_6 = tpu.memref_slice %arg15[%dma_start3A, %dma_start3A_5] : memref<16x2048xf32, #tpu.memory_space<vmem>> -> memref<8x2048xf32, #tpu.memory_space<vmem>>
    %dma_start3A_7 = arith.constant 0 : i32
    %dma_start3A_8 = tpu.memref_slice %arg3[%mul3A_4, %dma_start3A_7] : memref<256x2048xf32, #tpu.memory_space<hbm>> -> memref<8x2048xf32, #tpu.memory_space<hbm>>
    %dma_start3A_9 = arith.constant 0 : i32
    %dma_start3A_10 = arith.constant 0 : i32
    %dma_start3A_11 = tpu.memref_slice %arg15[%dma_start3A_9, %dma_start3A_10] : memref<16x2048xf32, #tpu.memory_space<vmem>> -> memref<8x2048xf32, #tpu.memory_space<vmem>>
    %dma_start3A_12 = arith.constant 0 : i32
    %dma_start3A_13 = tpu.memref_slice %arg3[%mul3A_4, %dma_start3A_12] : memref<256x2048xf32, #tpu.memory_space<hbm>> -> memref<8x2048xf32, #tpu.memory_space<hbm>>
    tpu.enqueue_dma source(%dma_start3A_13 : memref<8x2048xf32, #tpu.memory_space<hbm>>) target(%dma_start3A_11 : memref<8x2048xf32, #tpu.memory_space<vmem>>) target_semaphore(%arg17 : memref<!tpu.dma_semaphore, #tpu.memory_space<semaphore_mem>>)
    "tpu.region"() ({
      %run_scoped3A = tpu.sem_alloc : memref<!tpu.dma_semaphore, #tpu.memory_space<semaphore_mem>>
      tpu.enqueue_dma source(%arg4 : memref<512xi32, #tpu.memory_space<hbm>>) target(%arg6 : memref<512xi32, #tpu.memory_space<vmem>>) target_semaphore(%run_scoped3A : memref<!tpu.dma_semaphore, #tpu.memory_space<semaphore_mem>>)
      tpu.wait_dma2 semaphore(%run_scoped3A : memref<!tpu.dma_semaphore, #tpu.memory_space<semaphore_mem>>) src(%arg4 : memref<512xi32, #tpu.memory_space<hbm>>) dst(%arg6 : memref<512xi32, #tpu.memory_space<vmem>>)
      tpu.yield
    }) : () -> ()
    %iota3A = tpu.iota {dimensions = array<i32: 0>} : vector<16xi32>
    %broadcast_in_dim3A = arith.constant 0 : i32
    %broadcast_in_dim3A_14 = vector.broadcast %broadcast_in_dim3A : i32 to vector<16xi32>
    %scan3A = arith.constant 0 : i32
    %scan3A_15 = arith.constant 32 : i32
    %scan3A_16 = arith.addi %scan3A, %scan3A_15 : i32
    %scan3A_17 = arith.constant 1 : i32
    %scan3A_18:4 = scf.for %scan3A_33 = %scan3A to %scan3A_16 step %scan3A_17 iter_args(%scan3A_34 = %broadcast_in_dim3A_14, %scan3A_35 = %broadcast_in_dim3A_14, %scan3A_36 = %broadcast_in_dim3A_14, %scan3A_37 = %broadcast_in_dim3A_14) -> (vector<16xi32>, vector<16xi32>, vector<16xi32>, vector<16xi32>)  : i32 {
      %mul3A_38 = arith.constant 16 : i32
      %mul3A_39 = arith.muli %scan3A_33, %mul3A_38 : i32
      %multiple_of3A = tpu.assume_multiple %mul3A_39, 16 : i32
      %get3A = arith.index_cast %multiple_of3A : i32 to index
      %get3A_40 = tpu.vector_load %arg6[%get3A] {strides = array<i32>} : memref<512xi32, #tpu.memory_space<vmem>>, vector<16xi32>,
      %eq3A_41 = arith.constant 151655 : i32
      %eq3A_42 = vector.broadcast %eq3A_41 : i32 to vector<16xi32>
      %eq3A_43 = arith.cmpi eq, %get3A_40, %eq3A_42 : vector<16xi32>
      %convert_element_type3A_44 = arith.extui %eq3A_43 : vector<16xi1> to vector<16xi32>
      %broadcast_in_dim3A_45 = arith.constant true
      %broadcast_in_dim3A_46 = vector.broadcast %broadcast_in_dim3A_45 : i1 to vector<16xi1>
      %masked_cumsum3A = tpu.scan <sum>, %convert_element_type3A_44 masked %broadcast_in_dim3A_46 : vector<16xi32>, vector<16xi1> -> vector<16xi32>
      %add3A_47 = arith.addi %scan3A_34, %masked_cumsum3A : vector<16xi32>
      %sub3A = arith.constant 1 : i32
      %sub3A_48 = vector.broadcast %sub3A : i32 to vector<16xi32>
      %sub3A_49 = arith.subi %add3A_47, %sub3A_48 : vector<16xi32>
      %add3A_50 = arith.constant 1 : i32
      %add3A_51 = vector.broadcast %add3A_50 : i32 to vector<16xi32>
      %add3A_52 = arith.addi %iota3A, %add3A_51 : vector<16xi32>
      %sub3A_53 = arith.subi %add3A_52, %masked_cumsum3A : vector<16xi32>
      %add3A_54 = arith.addi %scan3A_35, %sub3A_53 : vector<16xi32>
      %sub3A_55 = arith.constant 1 : i32
      %sub3A_56 = vector.broadcast %sub3A_55 : i32 to vector<16xi32>
      %sub3A_57 = arith.subi %add3A_54, %sub3A_56 : vector<16xi32>
      %mul3A_58 = arith.constant 16 : i32
      %mul3A_59 = arith.muli %scan3A_33, %mul3A_58 : i32
      %add3A_60 = vector.broadcast %mul3A_59 : i32 to vector<16xi32>
      %add3A_61 = arith.addi %add3A_60, %iota3A : vector<16xi32>
      %sub3A_62 = vector.broadcast %mul3A_4 : i32 to vector<16xi32>
      %sub3A_63 = arith.subi %sub3A_49, %sub3A_62 : vector<16xi32>
      %ge3A = arith.constant 0 : i32
      %ge3A_64 = vector.broadcast %ge3A : i32 to vector<16xi32>
      %ge3A_65 = arith.cmpi sge, %sub3A_63, %ge3A_64 : vector<16xi32>
      %lt3A = arith.constant 8 : i32
      %lt3A_66 = vector.broadcast %lt3A : i32 to vector<16xi32>
      %lt3A_67 = arith.cmpi slt, %sub3A_63, %lt3A_66 : vector<16xi32>
      %and3A = arith.andi %ge3A_65, %lt3A_67 : vector<16xi1>
      %and3A_68 = arith.andi %eq3A_43, %and3A : vector<16xi1>
      %jit3A = arith.constant 0 : i32
      %jit3A_69 = arith.constant 7 : i32
      %max3A = vector.broadcast %jit3A : i32 to vector<16xi32>
      %max3A_70 = arith.maxsi %max3A, %sub3A_63 : vector<16xi32>
      %min3A = vector.broadcast %jit3A_69 : i32 to vector<16xi32>
      %min3A_71 = arith.minsi %min3A, %max3A_70 : vector<16xi32>
      tpu.vector_store_idx %arg9[%min3A_71], %add3A_61 masked %and3A_68 : memref<8xi32, #tpu.memory_space<vmem>>[vector<16xi32>], vector<16xi32>, vector<16xi1>
      %sub3A_72 = vector.broadcast %mul3A_4 : i32 to vector<16xi32>
      %sub3A_73 = arith.subi %sub3A_57, %sub3A_72 : vector<16xi32>
      %not3A = arith.constant dense<true> : vector<16xi1>
      %not3A_74 = arith.xori %eq3A_43, %not3A : vector<16xi1>
      %ge3A_75 = arith.constant 0 : i32
      %ge3A_76 = vector.broadcast %ge3A_75 : i32 to vector<16xi32>
      %ge3A_77 = arith.cmpi sge, %sub3A_73, %ge3A_76 : vector<16xi32>
      %lt3A_78 = arith.constant 8 : i32
      %lt3A_79 = vector.broadcast %lt3A_78 : i32 to vector<16xi32>
      %lt3A_80 = arith.cmpi slt, %sub3A_73, %lt3A_79 : vector<16xi32>
      %and3A_81 = arith.andi %ge3A_77, %lt3A_80 : vector<16xi1>
      %and3A_82 = arith.andi %not3A_74, %and3A_81 : vector<16xi1>
      %jit3A_83 = arith.constant 0 : i32
      %jit3A_84 = arith.constant 7 : i32
      %max3A_85 = vector.broadcast %jit3A_83 : i32 to vector<16xi32>
      %max3A_86 = arith.maxsi %max3A_85, %sub3A_73 : vector<16xi32>
      %min3A_87 = vector.broadcast %jit3A_84 : i32 to vector<16xi32>
      %min3A_88 = arith.minsi %min3A_87, %max3A_86 : vector<16xi32>
      tpu.vector_store_idx %arg7[%min3A_88], %add3A_61 masked %and3A_82 : memref<8xi32, #tpu.memory_space<vmem>>[vector<16xi32>], vector<16xi32>, vector<16xi1>
      tpu.vector_store_idx %arg8[%min3A_88], %get3A_40 masked %and3A_82 : memref<8xi32, #tpu.memory_space<vmem>>[vector<16xi32>], vector<16xi32>, vector<16xi1>
      %all_reduce_population_count3A = tpu.all_reduce %eq3A_43 {dim = 0 : i64, kind = #tpu.reduction_kind<sum>} : vector<16xi1> -> vector<16xi32>
      %add3A_89 = arith.addi %scan3A_34, %all_reduce_population_count3A : vector<16xi32>
      %sub3A_90 = arith.constant 16 : i32
      %sub3A_91 = vector.broadcast %sub3A_90 : i32 to vector<16xi32>
      %sub3A_92 = arith.subi %sub3A_91, %all_reduce_population_count3A : vector<16xi32>
      %add3A_93 = arith.addi %scan3A_35, %sub3A_92 : vector<16xi32>
      %lt3A_94 = arith.cmpi slt, %scan3A_33, %add3A : i32
      %jit3A_95 = arith.constant 0 : i32
      %broadcast_in_dim3A_96 = vector.broadcast %jit3A_95 : i32 to vector<16xi32>
      %select_n3A = arith.select %lt3A_94, %all_reduce_population_count3A, %broadcast_in_dim3A_96 : vector<16xi32>
      %add3A_97 = arith.addi %scan3A_36, %select_n3A : vector<16xi32>
      %eq3A_98 = arith.cmpi eq, %scan3A_33, %add3A : i32
      %select_n3A_99 = arith.select %eq3A_98, %get3A_40, %scan3A_37 : vector<16xi32>
      scf.yield %add3A_89, %add3A_93, %add3A_97, %select_n3A_99 : vector<16xi32>, vector<16xi32>, vector<16xi32>, vector<16xi32>
    }
    %scan3A_19 = arith.constant 32 : i32
    %reduce_max3A = arith.constant true
    %reduce_max3A_20 = vector.broadcast %reduce_max3A : i1 to vector<16xi1>
    %reduce_max3A_21 = arith.constant -2147483648 : i32
    %reduce_max3A_22 = vector.broadcast %reduce_max3A_21 : i32 to vector<16xi32>
    %reduce_max3A_23 = arith.xori %scan3A_18#0, %reduce_max3A_22 : vector<16xi32>
    %reduce_max3A_24 = tpu.scan <max>, %reduce_max3A_23 masked %reduce_max3A_20 : vector<16xi32>, vector<16xi1> -> vector<16xi32>
    %reduce_max3A_25 = arith.xori %reduce_max3A_24, %reduce_max3A_22 : vector<16xi32>
    %reduce_max3A_26 = vector.extract %reduce_max3A_25[15] : i32 from vector<16xi32>
    %eq3A = arith.constant 256 : i32
    %eq3A_27 = arith.cmpi eq, %reduce_max3A_26, %eq3A : i32
    %convert_element_type3A = arith.extui %eq3A_27 : i1 to i32
    %cond3A = arith.constant 0 : i32
    %cond3A_28 = arith.cmpi ne, %convert_element_type3A, %cond3A : i32
    scf.if %cond3A_28 {
      %dma_start3A_33 = arith.constant 0 : i32
      %dma_start3A_34 = arith.constant 0 : i32
      %dma_start3A_35 = tpu.memref_slice %arg14[%dma_start3A_33, %dma_start3A_34] : memref<16x2048xf32, #tpu.memory_space<vmem>> -> memref<8x2048xf32, #tpu.memory_space<vmem>>
      %dma_start3A_36 = arith.constant 0 : i32
      %dma_start3A_37 = arith.constant 0 : i32
      %dma_start3A_38 = tpu.memref_slice %arg2[%dma_start3A_36, %dma_start3A_37] : memref<151936x2048xf32, #tpu.memory_space<hbm>> -> memref<151936x2048xf32, #tpu.memory_space<hbm>>
      tpu.enqueue_indirect_dma source(%dma_start3A_38 : memref<151936x2048xf32, #tpu.memory_space<hbm>>) target(%dma_start3A_35 : memref<8x2048xf32, #tpu.memory_space<vmem>>) offsets(%arg8 : memref<8xi32, #tpu.memory_space<vmem>>) semaphore(%arg16 : memref<!tpu.dma_semaphore, #tpu.memory_space<semaphore_mem>>)
      %dma_wait3A = arith.constant 0 : i32
      %dma_wait3A_39 = arith.constant 0 : i32
      %dma_wait3A_40 = tpu.memref_slice %arg15[%dma_wait3A, %dma_wait3A_39] : memref<16x2048xf32, #tpu.memory_space<vmem>> -> memref<8x2048xf32, #tpu.memory_space<vmem>>
      %dma_wait3A_41 = arith.constant 0 : i32
      %dma_wait3A_42 = tpu.memref_slice %arg3[%mul3A_4, %dma_wait3A_41] : memref<256x2048xf32, #tpu.memory_space<hbm>> -> memref<8x2048xf32, #tpu.memory_space<hbm>>
      %dma_wait3A_43 = arith.constant 0 : i32
      %dma_wait3A_44 = arith.constant 0 : i32
      %dma_wait3A_45 = tpu.memref_slice %arg15[%dma_wait3A_43, %dma_wait3A_44] : memref<16x2048xf32, #tpu.memory_space<vmem>> -> memref<8x2048xf32, #tpu.memory_space<vmem>>
      %dma_wait3A_46 = arith.constant 0 : i32
      %dma_wait3A_47 = tpu.memref_slice %arg3[%mul3A_4, %dma_wait3A_46] : memref<256x2048xf32, #tpu.memory_space<hbm>> -> memref<8x2048xf32, #tpu.memory_space<hbm>>
      tpu.wait_dma2 semaphore(%arg17 : memref<!tpu.dma_semaphore, #tpu.memory_space<semaphore_mem>>) src(%dma_wait3A_47 : memref<8x2048xf32, #tpu.memory_space<hbm>>) dst(%dma_wait3A_45 : memref<8x2048xf32, #tpu.memory_space<vmem>>)
      %dma_start3A_48 = arith.constant 0 : i32
      %dma_start3A_49 = arith.constant 0 : i32
      %dma_start3A_50 = tpu.memref_slice %arg15[%dma_start3A_48, %dma_start3A_49] : memref<16x2048xf32, #tpu.memory_space<vmem>> -> memref<8x2048xf32, #tpu.memory_space<vmem>>
      %dma_start3A_51 = arith.constant 0 : i32
      %dma_start3A_52 = arith.constant 0 : i32
      %dma_start3A_53 = tpu.memref_slice %arg5[%dma_start3A_51, %dma_start3A_52] : memref<512x2048xf32, #tpu.memory_space<hbm>> -> memref<512x2048xf32, #tpu.memory_space<hbm>>
      tpu.enqueue_indirect_dma source(%dma_start3A_50 : memref<8x2048xf32, #tpu.memory_space<vmem>>) target(%dma_start3A_53 : memref<512x2048xf32, #tpu.memory_space<hbm>>) offsets(%arg9 : memref<8xi32, #tpu.memory_space<vmem>>) semaphore(%arg18 : memref<!tpu.dma_semaphore, #tpu.memory_space<semaphore_mem>>)
      %dma_wait3A_54 = arith.constant 0 : i32
      %dma_wait3A_55 = arith.constant 0 : i32
      %dma_wait3A_56 = tpu.memref_slice %arg14[%dma_wait3A_54, %dma_wait3A_55] : memref<16x2048xf32, #tpu.memory_space<vmem>> -> memref<8x2048xf32, #tpu.memory_space<vmem>>
      %dma_wait3A_57 = arith.constant 0 : i32
      %dma_wait3A_58 = arith.constant 0 : i32
      %dma_wait3A_59 = tpu.memref_slice %arg2[%dma_wait3A_57, %dma_wait3A_58] : memref<151936x2048xf32, #tpu.memory_space<hbm>> -> memref<151936x2048xf32, #tpu.memory_space<hbm>>
      tpu.wait_indirect_dma semaphore(%arg16 : memref<!tpu.dma_semaphore, #tpu.memory_space<semaphore_mem>>) src(%dma_wait3A_59 : memref<151936x2048xf32, #tpu.memory_space<hbm>>) dst(%dma_wait3A_56 : memref<8x2048xf32, #tpu.memory_space<vmem>>)
      %dma_start3A_60 = arith.constant 0 : i32
      %dma_start3A_61 = arith.constant 0 : i32
      %dma_start3A_62 = tpu.memref_slice %arg14[%dma_start3A_60, %dma_start3A_61] : memref<16x2048xf32, #tpu.memory_space<vmem>> -> memref<8x2048xf32, #tpu.memory_space<vmem>>
      %dma_start3A_63 = arith.constant 0 : i32
      %dma_start3A_64 = arith.constant 0 : i32
      %dma_start3A_65 = tpu.memref_slice %arg5[%dma_start3A_63, %dma_start3A_64] : memref<512x2048xf32, #tpu.memory_space<hbm>> -> memref<512x2048xf32, #tpu.memory_space<hbm>>
      tpu.enqueue_indirect_dma source(%dma_start3A_62 : memref<8x2048xf32, #tpu.memory_space<vmem>>) target(%dma_start3A_65 : memref<512x2048xf32, #tpu.memory_space<hbm>>) offsets(%arg7 : memref<8xi32, #tpu.memory_space<vmem>>) semaphore(%arg19 : memref<!tpu.dma_semaphore, #tpu.memory_space<semaphore_mem>>)
      %dma_wait3A_66 = arith.constant 0 : i32
      %dma_wait3A_67 = arith.constant 0 : i32
      %dma_wait3A_68 = tpu.memref_slice %arg15[%dma_wait3A_66, %dma_wait3A_67] : memref<16x2048xf32, #tpu.memory_space<vmem>> -> memref<8x2048xf32, #tpu.memory_space<vmem>>
      %dma_wait3A_69 = arith.constant 0 : i32
      %dma_wait3A_70 = arith.constant 0 : i32
      %dma_wait3A_71 = tpu.memref_slice %arg5[%dma_wait3A_69, %dma_wait3A_70] : memref<512x2048xf32, #tpu.memory_space<hbm>> -> memref<512x2048xf32, #tpu.memory_space<hbm>>
      tpu.wait_indirect_dma semaphore(%arg18 : memref<!tpu.dma_semaphore, #tpu.memory_space<semaphore_mem>>) src(%dma_wait3A_68 : memref<8x2048xf32, #tpu.memory_space<vmem>>) dst(%dma_wait3A_71 : memref<512x2048xf32, #tpu.memory_space<hbm>>)
      %dma_wait3A_72 = arith.constant 0 : i32
      %dma_wait3A_73 = arith.constant 0 : i32
      %dma_wait3A_74 = tpu.memref_slice %arg14[%dma_wait3A_72, %dma_wait3A_73] : memref<16x2048xf32, #tpu.memory_space<vmem>> -> memref<8x2048xf32, #tpu.memory_space<vmem>>
      %dma_wait3A_75 = arith.constant 0 : i32
      %dma_wait3A_76 = arith.constant 0 : i32
      %dma_wait3A_77 = tpu.memref_slice %arg5[%dma_wait3A_75, %dma_wait3A_76] : memref<512x2048xf32, #tpu.memory_space<hbm>> -> memref<512x2048xf32, #tpu.memory_space<hbm>>
      tpu.wait_indirect_dma semaphore(%arg19 : memref<!tpu.dma_semaphore, #tpu.memory_space<semaphore_mem>>) src(%dma_wait3A_74 : memref<8x2048xf32, #tpu.memory_space<vmem>>) dst(%dma_wait3A_77 : memref<512x2048xf32, #tpu.memory_space<hbm>>)
    } else {
    }
    %ne3A = arith.constant 256 : i32
    %ne3A_29 = arith.cmpi ne, %reduce_max3A_26, %ne3A : i32
    %convert_element_type3A_30 = arith.extui %ne3A_29 : i1 to i32
    %cond3A_31 = arith.constant 0 : i32
    %cond3A_32 = arith.cmpi ne, %convert_element_type3A_30, %cond3A_31 : i32
    scf.if %cond3A_32 {
      %dma_wait3A = arith.constant 0 : i32
      %dma_wait3A_33 = arith.constant 0 : i32
      %dma_wait3A_34 = tpu.memref_slice %arg15[%dma_wait3A, %dma_wait3A_33] : memref<16x2048xf32, #tpu.memory_space<vmem>> -> memref<8x2048xf32, #tpu.memory_space<vmem>>
      %dma_wait3A_35 = arith.constant 0 : i32
      %dma_wait3A_36 = tpu.memref_slice %arg3[%mul3A_4, %dma_wait3A_35] : memref<256x2048xf32, #tpu.memory_space<hbm>> -> memref<8x2048xf32, #tpu.memory_space<hbm>>
      %dma_wait3A_37 = arith.constant 0 : i32
      %dma_wait3A_38 = arith.constant 0 : i32
      %dma_wait3A_39 = tpu.memref_slice %arg15[%dma_wait3A_37, %dma_wait3A_38] : memref<16x2048xf32, #tpu.memory_space<vmem>> -> memref<8x2048xf32, #tpu.memory_space<vmem>>
      %dma_wait3A_40 = arith.constant 0 : i32
      %dma_wait3A_41 = tpu.memref_slice %arg3[%mul3A_4, %dma_wait3A_40] : memref<256x2048xf32, #tpu.memory_space<hbm>> -> memref<8x2048xf32, #tpu.memory_space<hbm>>
      tpu.wait_dma2 semaphore(%arg17 : memref<!tpu.dma_semaphore, #tpu.memory_space<semaphore_mem>>) src(%dma_wait3A_41 : memref<8x2048xf32, #tpu.memory_space<hbm>>) dst(%dma_wait3A_39 : memref<8x2048xf32, #tpu.memory_space<vmem>>)
      %eq3A_42 = arith.constant 151655 : i32
      %eq3A_43 = vector.broadcast %eq3A_42 : i32 to vector<16xi32>
      %eq3A_44 = arith.cmpi eq, %scan3A_18#3, %eq3A_43 : vector<16xi32>
      %all_reduce_population_count3A = tpu.all_reduce %eq3A_44 {dim = 0 : i64, kind = #tpu.reduction_kind<sum>} : vector<16xi1> -> vector<16xi32>
      %reduce_max3A_45 = arith.constant true
      %reduce_max3A_46 = vector.broadcast %reduce_max3A_45 : i1 to vector<16xi1>
      %reduce_max3A_47 = arith.constant -2147483648 : i32
      %reduce_max3A_48 = vector.broadcast %reduce_max3A_47 : i32 to vector<16xi32>
      %reduce_max3A_49 = arith.xori %all_reduce_population_count3A, %reduce_max3A_48 : vector<16xi32>
      %reduce_max3A_50 = tpu.scan <max>, %reduce_max3A_49 masked %reduce_max3A_46 : vector<16xi32>, vector<16xi1> -> vector<16xi32>
      %reduce_max3A_51 = arith.xori %reduce_max3A_50, %reduce_max3A_48 : vector<16xi32>
      %reduce_max3A_52 = vector.extract %reduce_max3A_51[15] : i32 from vector<16xi32>
      %convert_element_type3A_53 = arith.extui %eq3A_44 : vector<16xi1> to vector<16xi32>
      %broadcast_in_dim3A_54 = arith.constant true
      %broadcast_in_dim3A_55 = vector.broadcast %broadcast_in_dim3A_54 : i1 to vector<16xi1>
      %masked_cumsum3A = tpu.scan <sum>, %convert_element_type3A_53 masked %broadcast_in_dim3A_55 : vector<16xi32>, vector<16xi1> -> vector<16xi32>
      %add3A_56 = arith.addi %scan3A_18#2, %masked_cumsum3A : vector<16xi32>
      %sub3A = arith.constant 1 : i32
      %sub3A_57 = vector.broadcast %sub3A : i32 to vector<16xi32>
      %sub3A_58 = arith.subi %add3A_56, %sub3A_57 : vector<16xi32>
      %jit3A = arith.constant 0 : i32
      %jit3A_59 = arith.constant 255 : i32
      %max3A = vector.broadcast %jit3A : i32 to vector<16xi32>
      %max3A_60 = arith.maxsi %max3A, %sub3A_58 : vector<16xi32>
      %min3A = vector.broadcast %jit3A_59 : i32 to vector<16xi32>
      %min3A_61 = arith.minsi %min3A, %max3A_60 : vector<16xi32>
      %add3A_62 = vector.broadcast %mul3A_2 : i32 to vector<16xi32>
      %add3A_63 = arith.addi %add3A_62, %iota3A : vector<16xi32>
      %eq3A_64 = arith.constant 0 : i32
      %eq3A_65 = arith.cmpi eq, %reduce_max3A_52, %eq3A_64 : i32
      %convert_element_type3A_66 = arith.extui %eq3A_65 : i1 to i32
      %cond3A_67 = arith.constant 0 : i32
      %cond3A_68 = arith.cmpi ne, %convert_element_type3A_66, %cond3A_67 : i32
      scf.if %cond3A_68 {
        %swap3A = arith.constant 0 : index
        %swap3A_79 = tpu.vector_load %arg10[%swap3A] {strides = array<i32>} : memref<16xi32, #tpu.memory_space<vmem>>, vector<16xi32>,
        tpu.vector_store %arg10[%swap3A], %scan3A_18#3 {strides = array<i32>} : memref<16xi32, #tpu.memory_space<vmem>>, vector<16xi32>,
        %dma_start3A_80 = arith.constant 0 : i32
        %dma_start3A_81 = arith.constant 0 : i32
        %dma_start3A_82 = tpu.memref_slice %arg2[%dma_start3A_80, %dma_start3A_81] : memref<151936x2048xf32, #tpu.memory_space<hbm>> -> memref<151936x2048xf32, #tpu.memory_space<hbm>>
        tpu.enqueue_indirect_dma source(%dma_start3A_82 : memref<151936x2048xf32, #tpu.memory_space<hbm>>) target(%arg14 : memref<16x2048xf32, #tpu.memory_space<vmem>>) offsets(%arg10 : memref<16xi32, #tpu.memory_space<vmem>>) semaphore(%arg16 : memref<!tpu.dma_semaphore, #tpu.memory_space<semaphore_mem>>)
        %dma_wait3A_83 = arith.constant 0 : i32
        %dma_wait3A_84 = arith.constant 0 : i32
        %dma_wait3A_85 = tpu.memref_slice %arg2[%dma_wait3A_83, %dma_wait3A_84] : memref<151936x2048xf32, #tpu.memory_space<hbm>> -> memref<151936x2048xf32, #tpu.memory_space<hbm>>
        tpu.wait_indirect_dma semaphore(%arg16 : memref<!tpu.dma_semaphore, #tpu.memory_space<semaphore_mem>>) src(%dma_wait3A_85 : memref<151936x2048xf32, #tpu.memory_space<hbm>>) dst(%arg14 : memref<16x2048xf32, #tpu.memory_space<vmem>>)
        "tpu.region"() ({
          %run_scoped3A = tpu.sem_alloc : memref<!tpu.dma_semaphore, #tpu.memory_space<semaphore_mem>>
          %dma_start3A_86 = arith.constant 0 : i32
          %dma_start3A_87 = tpu.memref_slice %arg5[%mul3A_2, %dma_start3A_86] : memref<512x2048xf32, #tpu.memory_space<hbm>> -> memref<16x2048xf32, #tpu.memory_space<hbm>>
          %dma_start3A_88 = arith.constant 0 : i32
          %dma_start3A_89 = tpu.memref_slice %arg5[%mul3A_2, %dma_start3A_88] : memref<512x2048xf32, #tpu.memory_space<hbm>> -> memref<16x2048xf32, #tpu.memory_space<hbm>>
          tpu.enqueue_dma source(%arg14 : memref<16x2048xf32, #tpu.memory_space<vmem>>) target(%dma_start3A_89 : memref<16x2048xf32, #tpu.memory_space<hbm>>) target_semaphore(%run_scoped3A : memref<!tpu.dma_semaphore, #tpu.memory_space<semaphore_mem>>)
          %dma_wait3A_90 = arith.constant 0 : i32
          %dma_wait3A_91 = tpu.memref_slice %arg5[%mul3A_2, %dma_wait3A_90] : memref<512x2048xf32, #tpu.memory_space<hbm>> -> memref<16x2048xf32, #tpu.memory_space<hbm>>
          %dma_wait3A_92 = arith.constant 0 : i32
          %dma_wait3A_93 = tpu.memref_slice %arg5[%mul3A_2, %dma_wait3A_92] : memref<512x2048xf32, #tpu.memory_space<hbm>> -> memref<16x2048xf32, #tpu.memory_space<hbm>>
          tpu.wait_dma2 semaphore(%run_scoped3A : memref<!tpu.dma_semaphore, #tpu.memory_space<semaphore_mem>>) src(%arg14 : memref<16x2048xf32, #tpu.memory_space<vmem>>) dst(%dma_wait3A_93 : memref<16x2048xf32, #tpu.memory_space<hbm>>)
          tpu.yield
        }) : () -> ()
      } else {
      }
      %eq3A_69 = arith.constant 16 : i32
      %eq3A_70 = arith.cmpi eq, %reduce_max3A_52, %eq3A_69 : i32
      %convert_element_type3A_71 = arith.extui %eq3A_70 : i1 to i32
      %cond3A_72 = arith.constant 0 : i32
      %cond3A_73 = arith.cmpi ne, %convert_element_type3A_71, %cond3A_72 : i32
      scf.if %cond3A_73 {
        %swap3A = arith.constant 0 : index
        %swap3A_79 = tpu.vector_load %arg11[%swap3A] {strides = array<i32>} : memref<16xi32, #tpu.memory_space<vmem>>, vector<16xi32>,
        tpu.vector_store %arg11[%swap3A], %min3A_61 {strides = array<i32>} : memref<16xi32, #tpu.memory_space<vmem>>, vector<16xi32>,
        %dma_start3A_80 = arith.constant 0 : i32
        %dma_start3A_81 = arith.constant 0 : i32
        %dma_start3A_82 = tpu.memref_slice %arg3[%dma_start3A_80, %dma_start3A_81] : memref<256x2048xf32, #tpu.memory_space<hbm>> -> memref<256x2048xf32, #tpu.memory_space<hbm>>
        tpu.enqueue_indirect_dma source(%dma_start3A_82 : memref<256x2048xf32, #tpu.memory_space<hbm>>) target(%arg15 : memref<16x2048xf32, #tpu.memory_space<vmem>>) offsets(%arg11 : memref<16xi32, #tpu.memory_space<vmem>>) semaphore(%arg17 : memref<!tpu.dma_semaphore, #tpu.memory_space<semaphore_mem>>)
        %dma_wait3A_83 = arith.constant 0 : i32
        %dma_wait3A_84 = arith.constant 0 : i32
        %dma_wait3A_85 = tpu.memref_slice %arg3[%dma_wait3A_83, %dma_wait3A_84] : memref<256x2048xf32, #tpu.memory_space<hbm>> -> memref<256x2048xf32, #tpu.memory_space<hbm>>
        tpu.wait_indirect_dma semaphore(%arg17 : memref<!tpu.dma_semaphore, #tpu.memory_space<semaphore_mem>>) src(%dma_wait3A_85 : memref<256x2048xf32, #tpu.memory_space<hbm>>) dst(%arg15 : memref<16x2048xf32, #tpu.memory_space<vmem>>)
        "tpu.region"() ({
          %run_scoped3A = tpu.sem_alloc : memref<!tpu.dma_semaphore, #tpu.memory_space<semaphore_mem>>
          %dma_start3A_86 = arith.constant 0 : i32
          %dma_start3A_87 = tpu.memref_slice %arg5[%mul3A_2, %dma_start3A_86] : memref<512x2048xf32, #tpu.memory_space<hbm>> -> memref<16x2048xf32, #tpu.memory_space<hbm>>
          %dma_start3A_88 = arith.constant 0 : i32
          %dma_start3A_89 = tpu.memref_slice %arg5[%mul3A_2, %dma_start3A_88] : memref<512x2048xf32, #tpu.memory_space<hbm>> -> memref<16x2048xf32, #tpu.memory_space<hbm>>
          tpu.enqueue_dma source(%arg15 : memref<16x2048xf32, #tpu.memory_space<vmem>>) target(%dma_start3A_89 : memref<16x2048xf32, #tpu.memory_space<hbm>>) target_semaphore(%run_scoped3A : memref<!tpu.dma_semaphore, #tpu.memory_space<semaphore_mem>>)
          %dma_wait3A_90 = arith.constant 0 : i32
          %dma_wait3A_91 = tpu.memref_slice %arg5[%mul3A_2, %dma_wait3A_90] : memref<512x2048xf32, #tpu.memory_space<hbm>> -> memref<16x2048xf32, #tpu.memory_space<hbm>>
          %dma_wait3A_92 = arith.constant 0 : i32
          %dma_wait3A_93 = tpu.memref_slice %arg5[%mul3A_2, %dma_wait3A_92] : memref<512x2048xf32, #tpu.memory_space<hbm>> -> memref<16x2048xf32, #tpu.memory_space<hbm>>
          tpu.wait_dma2 semaphore(%run_scoped3A : memref<!tpu.dma_semaphore, #tpu.memory_space<semaphore_mem>>) src(%arg15 : memref<16x2048xf32, #tpu.memory_space<vmem>>) dst(%dma_wait3A_93 : memref<16x2048xf32, #tpu.memory_space<hbm>>)
          tpu.yield
        }) : () -> ()
      } else {
      }
      %gt3A = arith.constant 0 : i32
      %gt3A_74 = arith.cmpi sgt, %reduce_max3A_52, %gt3A : i32
      %lt3A = arith.constant 16 : i32
      %lt3A_75 = arith.cmpi slt, %reduce_max3A_52, %lt3A : i32
      %and3A = arith.andi %gt3A_74, %lt3A_75 : i1
      %convert_element_type3A_76 = arith.extui %and3A : i1 to i32
      %cond3A_77 = arith.constant 0 : i32
      %cond3A_78 = arith.cmpi ne, %convert_element_type3A_76, %cond3A_77 : i32
      scf.if %cond3A_78 {
        %jit3A_79 = arith.constant 16 : i32
        %broadcast_in_dim3A_80 = vector.broadcast %jit3A_79 : i32 to vector<16xi32>
        %select_n3A = arith.select %eq3A_44, %broadcast_in_dim3A_80, %iota3A : vector<16xi1>, vector<16xi32>
        %reduce_min3A = arith.constant true
        %reduce_min3A_81 = vector.broadcast %reduce_min3A : i1 to vector<16xi1>
        %reduce_min3A_82 = arith.constant -2147483648 : i32
        %reduce_min3A_83 = vector.broadcast %reduce_min3A_82 : i32 to vector<16xi32>
        %reduce_min3A_84 = arith.xori %select_n3A, %reduce_min3A_83 : vector<16xi32>
        %reduce_min3A_85 = tpu.scan <min>, %reduce_min3A_84 masked %reduce_min3A_81 : vector<16xi32>, vector<16xi1> -> vector<16xi32>
        %reduce_min3A_86 = arith.xori %reduce_min3A_85, %reduce_min3A_83 : vector<16xi32>
        %reduce_min3A_87 = vector.extract %reduce_min3A_86[15] : i32 from vector<16xi32>
        %jit3A_88 = arith.constant 16 : i32
        %broadcast_in_dim3A_89 = vector.broadcast %jit3A_88 : i32 to vector<16xi32>
        %select_n3A_90 = arith.select %eq3A_44, %iota3A, %broadcast_in_dim3A_89 : vector<16xi1>, vector<16xi32>
        %reduce_min3A_91 = arith.constant true
        %reduce_min3A_92 = vector.broadcast %reduce_min3A_91 : i1 to vector<16xi1>
        %reduce_min3A_93 = arith.constant -2147483648 : i32
        %reduce_min3A_94 = vector.broadcast %reduce_min3A_93 : i32 to vector<16xi32>
        %reduce_min3A_95 = arith.xori %select_n3A_90, %reduce_min3A_94 : vector<16xi32>
        %reduce_min3A_96 = tpu.scan <min>, %reduce_min3A_95 masked %reduce_min3A_92 : vector<16xi32>, vector<16xi1> -> vector<16xi32>
        %reduce_min3A_97 = arith.xori %reduce_min3A_96, %reduce_min3A_94 : vector<16xi32>
        %reduce_min3A_98 = vector.extract %reduce_min3A_97[15] : i32 from vector<16xi32>
        %add3A_99 = vector.broadcast %reduce_min3A_87 : i32 to vector<16xi32>
        %add3A_100 = arith.addi %broadcast_in_dim3A_14, %add3A_99 : vector<16xi32>
        %add3A_101 = vector.broadcast %mul3A_2 : i32 to vector<16xi32>
        %add3A_102 = arith.addi %add3A_101, %add3A_100 : vector<16xi32>
        %gather3A = tpu.vector_load_idx %arg6[%add3A_102] : memref<512xi32, #tpu.memory_space<vmem>>[vector<16xi32>], vector<16xi32>,
        %select_n3A_103 = arith.select %eq3A_44, %gather3A, %scan3A_18#3 : vector<16xi1>, vector<16xi32>
        %swap3A = arith.constant 0 : index
        %swap3A_104 = tpu.vector_load %arg10[%swap3A] {strides = array<i32>} : memref<16xi32, #tpu.memory_space<vmem>>, vector<16xi32>,
        tpu.vector_store %arg10[%swap3A], %select_n3A_103 {strides = array<i32>} : memref<16xi32, #tpu.memory_space<vmem>>, vector<16xi32>,
        %jit3A_105 = arith.constant 0 : i32
        %jit3A_106 = arith.constant 255 : i32
        %max3A_107 = vector.broadcast %jit3A_105 : i32 to vector<16xi32>
        %max3A_108 = arith.maxsi %max3A_107, %scan3A_18#2 : vector<16xi32>
        %min3A_109 = vector.broadcast %jit3A_106 : i32 to vector<16xi32>
        %min3A_110 = arith.minsi %min3A_109, %max3A_108 : vector<16xi32>
        %select_n3A_111 = arith.select %eq3A_44, %min3A_61, %min3A_110 : vector<16xi1>, vector<16xi32>
        %swap3A_112 = arith.constant 0 : index
        %swap3A_113 = tpu.vector_load %arg11[%swap3A_112] {strides = array<i32>} : memref<16xi32, #tpu.memory_space<vmem>>, vector<16xi32>,
        tpu.vector_store %arg11[%swap3A_112], %select_n3A_111 {strides = array<i32>} : memref<16xi32, #tpu.memory_space<vmem>>, vector<16xi32>,
        %add3A_114 = arith.addi %mul3A_2, %reduce_min3A_87 : i32
        %broadcast_in_dim3A_115 = vector.broadcast %add3A_114 : i32 to vector<16xi32>
        %select_n3A_116 = arith.select %eq3A_44, %broadcast_in_dim3A_115, %add3A_63 : vector<16xi1>, vector<16xi32>
        %swap3A_117 = arith.constant 0 : index
        %swap3A_118 = tpu.vector_load %arg12[%swap3A_117] {strides = array<i32>} : memref<16xi32, #tpu.memory_space<vmem>>, vector<16xi32>,
        tpu.vector_store %arg12[%swap3A_117], %select_n3A_116 {strides = array<i32>} : memref<16xi32, #tpu.memory_space<vmem>>, vector<16xi32>,
        %add3A_119 = arith.addi %mul3A_2, %reduce_min3A_98 : i32
        %broadcast_in_dim3A_120 = vector.broadcast %add3A_119 : i32 to vector<16xi32>
        %select_n3A_121 = arith.select %eq3A_44, %add3A_63, %broadcast_in_dim3A_120 : vector<16xi1>, vector<16xi32>
        %swap3A_122 = arith.constant 0 : index
        %swap3A_123 = tpu.vector_load %arg13[%swap3A_122] {strides = array<i32>} : memref<16xi32, #tpu.memory_space<vmem>>, vector<16xi32>,
        tpu.vector_store %arg13[%swap3A_122], %select_n3A_121 {strides = array<i32>} : memref<16xi32, #tpu.memory_space<vmem>>, vector<16xi32>,
        %dma_start3A_124 = arith.constant 0 : i32
        %dma_start3A_125 = arith.constant 0 : i32
        %dma_start3A_126 = tpu.memref_slice %arg2[%dma_start3A_124, %dma_start3A_125] : memref<151936x2048xf32, #tpu.memory_space<hbm>> -> memref<151936x2048xf32, #tpu.memory_space<hbm>>
        tpu.enqueue_indirect_dma source(%dma_start3A_126 : memref<151936x2048xf32, #tpu.memory_space<hbm>>) target(%arg14 : memref<16x2048xf32, #tpu.memory_space<vmem>>) offsets(%arg10 : memref<16xi32, #tpu.memory_space<vmem>>) semaphore(%arg16 : memref<!tpu.dma_semaphore, #tpu.memory_space<semaphore_mem>>)
        %dma_start3A_127 = arith.constant 0 : i32
        %dma_start3A_128 = arith.constant 0 : i32
        %dma_start3A_129 = tpu.memref_slice %arg3[%dma_start3A_127, %dma_start3A_128] : memref<256x2048xf32, #tpu.memory_space<hbm>> -> memref<256x2048xf32, #tpu.memory_space<hbm>>
        tpu.enqueue_indirect_dma source(%dma_start3A_129 : memref<256x2048xf32, #tpu.memory_space<hbm>>) target(%arg15 : memref<16x2048xf32, #tpu.memory_space<vmem>>) offsets(%arg11 : memref<16xi32, #tpu.memory_space<vmem>>) semaphore(%arg17 : memref<!tpu.dma_semaphore, #tpu.memory_space<semaphore_mem>>)
        %dma_wait3A_130 = arith.constant 0 : i32
        %dma_wait3A_131 = arith.constant 0 : i32
        %dma_wait3A_132 = tpu.memref_slice %arg2[%dma_wait3A_130, %dma_wait3A_131] : memref<151936x2048xf32, #tpu.memory_space<hbm>> -> memref<151936x2048xf32, #tpu.memory_space<hbm>>
        tpu.wait_indirect_dma semaphore(%arg16 : memref<!tpu.dma_semaphore, #tpu.memory_space<semaphore_mem>>) src(%dma_wait3A_132 : memref<151936x2048xf32, #tpu.memory_space<hbm>>) dst(%arg14 : memref<16x2048xf32, #tpu.memory_space<vmem>>)
        %dma_start3A_133 = arith.constant 0 : i32
        %dma_start3A_134 = arith.constant 0 : i32
        %dma_start3A_135 = tpu.memref_slice %arg5[%dma_start3A_133, %dma_start3A_134] : memref<512x2048xf32, #tpu.memory_space<hbm>> -> memref<512x2048xf32, #tpu.memory_space<hbm>>
        tpu.enqueue_indirect_dma source(%arg14 : memref<16x2048xf32, #tpu.memory_space<vmem>>) target(%dma_start3A_135 : memref<512x2048xf32, #tpu.memory_space<hbm>>) offsets(%arg12 : memref<16xi32, #tpu.memory_space<vmem>>) semaphore(%arg18 : memref<!tpu.dma_semaphore, #tpu.memory_space<semaphore_mem>>)
        %dma_wait3A_136 = arith.constant 0 : i32
        %dma_wait3A_137 = arith.constant 0 : i32
        %dma_wait3A_138 = tpu.memref_slice %arg3[%dma_wait3A_136, %dma_wait3A_137] : memref<256x2048xf32, #tpu.memory_space<hbm>> -> memref<256x2048xf32, #tpu.memory_space<hbm>>
        tpu.wait_indirect_dma semaphore(%arg17 : memref<!tpu.dma_semaphore, #tpu.memory_space<semaphore_mem>>) src(%dma_wait3A_138 : memref<256x2048xf32, #tpu.memory_space<hbm>>) dst(%arg15 : memref<16x2048xf32, #tpu.memory_space<vmem>>)
        %dma_start3A_139 = arith.constant 0 : i32
        %dma_start3A_140 = arith.constant 0 : i32
        %dma_start3A_141 = tpu.memref_slice %arg5[%dma_start3A_139, %dma_start3A_140] : memref<512x2048xf32, #tpu.memory_space<hbm>> -> memref<512x2048xf32, #tpu.memory_space<hbm>>
        tpu.enqueue_indirect_dma source(%arg15 : memref<16x2048xf32, #tpu.memory_space<vmem>>) target(%dma_start3A_141 : memref<512x2048xf32, #tpu.memory_space<hbm>>) offsets(%arg13 : memref<16xi32, #tpu.memory_space<vmem>>) semaphore(%arg19 : memref<!tpu.dma_semaphore, #tpu.memory_space<semaphore_mem>>)
        %dma_wait3A_142 = arith.constant 0 : i32
        %dma_wait3A_143 = arith.constant 0 : i32
        %dma_wait3A_144 = tpu.memref_slice %arg5[%dma_wait3A_142, %dma_wait3A_143] : memref<512x2048xf32, #tpu.memory_space<hbm>> -> memref<512x2048xf32, #tpu.memory_space<hbm>>
        tpu.wait_indirect_dma semaphore(%arg18 : memref<!tpu.dma_semaphore, #tpu.memory_space<semaphore_mem>>) src(%arg14 : memref<16x2048xf32, #tpu.memory_space<vmem>>) dst(%dma_wait3A_144 : memref<512x2048xf32, #tpu.memory_space<hbm>>)
        %dma_wait3A_145 = arith.constant 0 : i32
        %dma_wait3A_146 = arith.constant 0 : i32
        %dma_wait3A_147 = tpu.memref_slice %arg5[%dma_wait3A_145, %dma_wait3A_146] : memref<512x2048xf32, #tpu.memory_space<hbm>> -> memref<512x2048xf32, #tpu.memory_space<hbm>>
        tpu.wait_indirect_dma semaphore(%arg19 : memref<!tpu.dma_semaphore, #tpu.memory_space<semaphore_mem>>) src(%arg15 : memref<16x2048xf32, #tpu.memory_space<vmem>>) dst(%dma_wait3A_147 : memref<512x2048xf32, #tpu.memory_space<hbm>>)
      } else {
      }
    } else {
    }
    return
  }
}

</mosaic_0001>

<sc_bundles>
// kernel: kernel.3.cloned.1.call-start
scs
__scs_entry_jumppad:
0x0: {  	(pc) =	sbr.rel $0x88, $3  }
0x1: {  	(tag) =	ssettag $0x0;
	lr =	simm.s32 $0x1  }
0x2: {  	[smem:$0x3F9E] =	sst lr;
	_ =	strace $0xD0000000  }
0x3: {  	_ = 	snop  }
0x4: {  	_ = 	snop  }
0x5: {  	_ = 	snop  }
0x6: {  	_ = 	snop  }
0x7: {  	_ = 	snop  }
__scs_overlays_trampoline_lowered:
0x8: {  	[smem:$0x3FAD] =	sst s0  }
0x9: {  	[smem:$0x3FAE] =	sst s1  }
0xa: {  	[smem:$0x3FAF] =	sst s2  }
0xb: {  	[smem:$0x3FB0] =	sst s3  }
0xc: {  	[smem:$0x3FB1] =	sst s4  }
0xd: {  	[smem:$0x3FB2] =	sst s5  }
0xe: {  	[smem:$0x3FB3] =	sst s6  }
0xf: {  	[smem:$0x3FB4] =	sst s7  }
0x10: {  	[smem:$0x3FB5] =	sst s8  }
0x11: {  	[smem:$0x3FB6] =	sst s9;
	s0 =	simm.s32 @!p0 $0x0  }
0x12: {  	s1 =	sld [smem:$0x3F9C];
	s0 =	simm.s32 @p0 $0x1  }
0x13: {  	[smem:$0x3FB7] =	sst s0;
	s0 =	simm.s32 @!p1 $0x0  }
0x14: {  	s2 =	sld [smem:$0x3F9B];
	s0 =	simm.s32 @p1 $0x1  }
0x15: {  	[smem:$0x3FB8] =	sst s0;
	s0 =	simm.s32 @!p2 $0x0  }
0x16: {  	s3 =	sld [smem:$0x3FDB];
	s0 =	simm.s32 @p2 $0x1  }
0x17: {  	s4 =	simm.s32 $0x1BF5;
	[smem:$0x3FBA] =	sst s0  }
0x18: {  	s0 =	sld [smem:$0x3F9D];
	_ =	swait.ge [sflag:s4], $0x0  }
0x19: {  	s7 =	sld [smem:$0x3F9E]  }
0x1a: {  	s8 =	sadd.s32 $0xFFFFE003, lr  }
0x1b: {  	s9 =	sadd.s32 $0xFFFFFEF7, lr;
	s5 =	simm.s32 $0xFFFFFFFF;
	p2 =	slt.u32 s8, $0xFFFFF086  }
0x1c: {  	p1 =	slt.u32 s9, $0xF7A;
	s5 =	simm.s32 @!p2 $0x0  }
0x1d: {  	s5 =	simm.s32 @p1 $0x1;
	p0 =	seq.s32 s7, s2  }
0x1e: {  	s7 =	smul.u32 @!p0 $0xF7A, s2;
	p2 =	seq.s32 @!p0 s5, $0x0  }
0x1f: {  	s9 =	smul.u32 $0xF7A, s1;
	s8 =	simm.s32 @!p0 $0x1BF5;
	p2 =	por !p2, p0  }
0x20: {  	[sflag:s8] =	ssyncset.s32 @!p0 $0xFFFFF086;
	s6 =	sadd.s32 @!p0 s3, s7;
	s7 =	simm.s32 @!p0 $0x108  }
0x21: {  	s3 =	sadd.s32 s3, s9;
	s6 =	sadd.s32 @!p0 $0x88, s6;
	s7 =	simm.s32 @p2 $0x1082  }
0x22: {  	[simem:s7], [sflag:s8] =	dma.local @!p0 [hbm:s6], $0xF7A  }
0x23: {  	s9 =	sor.u32 $0xD0000000, s2;
	s6 =	simm.s32 $0x108;
	_ =	swait.ge @!p0 [sflag:s8], $0x0  }
0x24: {  	s3 =	sadd.s32 $0x88, s3;
	s6 =	simm.s32 @!p1 $0x1082;
	[sflag:s4] =	ssyncset.s32 $0xFFFFF086  }
0x25: {  	[simem:s6], [sflag:s4] =	dma.local [hbm:s3], $0xF7A  }
0x26: {  	[smem:$0x3F9E] =	sst s1;
	(tag) =	ssettag s2;
	_ =	strace s9  }
0x27: {  	s1 =	sld [smem:$0x3FAE]  }
0x28: {  	s2 =	sld [smem:$0x3FAF]  }
0x29: {  	s4 =	sld [smem:$0x3FB1]  }
0x2a: {  	p0 =	seq.s32 s5, $0x0;
	s5 =	sld [smem:$0x3FB2]  }
0x2b: {  	s6 =	sld [smem:$0x3FB3]  }
0x2c: {  	s7 =	sld [smem:$0x3FB4]  }
0x2d: {  	s3 =	simm.s32 $0x108;
	s8 =	sld [smem:$0x3FB5]  }
0x2e: {  	s3 =	simm.s32 @!p0 $0x1082;
	s9 =	sld [smem:$0x3FB6]  }
0x2f: {  	lr =	sadd.s32 s0, s3;
	s0 =	sld [smem:$0x3FAD]  }
0x30: {  	s3 =	sld [smem:$0x3FB0]  }
0x31: {  	[smem:$0x3FB9] =	sst s10  }
0x32: {  	s10 =	sld [smem:$0x3FB7];
	_ =	sdelay $0x3  }
0x33: {  	p0 =	seq.s32 s10, $0x1;
	s10 =	sld [smem:$0x3FB9];
	_ =	sdelay $0x3  }
0x34: {  	[smem:$0x3FB9] =	sst s10  }
0x35: {  	s10 =	sld [smem:$0x3FB8];
	_ =	sdelay $0x3  }
0x36: {  	p1 =	seq.s32 s10, $0x1;
	s10 =	sld [smem:$0x3FB9];
	_ =	sdelay $0x3  }
0x37: {  	[smem:$0x3FB9] =	sst s10  }
0x38: {  	s10 =	sld [smem:$0x3FBA]  }
0x39: {  	_ = 	snop;
	(pc) =	sbr.ind lr, $3  }
0x3a: {  	_ = 	snop  }
0x3b: {  	_ = 	snop  }
0x3c: {  	p2 =	seq.s32 s10, $0x1;
	s10 =	sld [smem:$0x3FB9]  }
0x3d: {  	_ =	shalt  }
0x3e: {  	_ =	shalt  }
0x3f: {  	_ =	shalt  }
0x40: {  	_ =	shalt  }
0x41: {  	_ =	shalt  }
0x42: {  	_ =	shalt  }
0x43: {  	_ =	shalt  }
0x44: {  	_ =	shalt  }
0x45: {  	_ =	shalt  }
0x46: {  	_ =	shalt  }
0x47: {  	_ =	shalt  }
0x48: {  	_ =	shalt  }
0x49: {  	_ =	shalt  }
0x4a: {  	_ =	shalt  }
0x4b: {  	_ =	shalt  }
0x4c: {  	_ =	shalt  }
0x4d: {  	_ =	shalt  }
0x4e: {  	_ =	shalt  }
0x4f: {  	_ =	shalt  }
0x50: {  	_ =	shalt  }
0x51: {  	_ =	shalt  }
0x52: {  	_ =	shalt  }
0x53: {  	_ =	shalt  }
0x54: {  	_ =	shalt  }
0x55: {  	_ =	shalt  }
0x56: {  	_ =	shalt  }
0x57: {  	_ =	shalt  }
0x58: {  	_ =	shalt  }
0x59: {  	_ =	shalt  }
0x5a: {  	_ =	shalt  }
0x5b: {  	_ =	shalt  }
0x5c: {  	_ =	shalt  }
0x5d: {  	_ =	shalt  }
0x5e: {  	_ =	shalt  }
0x5f: {  	_ =	shalt  }
0x60: {  	_ =	shalt  }
0x61: {  	_ =	shalt  }
0x62: {  	_ =	shalt  }
0x63: {  	_ =	shalt  }
0x64: {  	_ =	shalt  }
0x65: {  	_ =	shalt  }
0x66: {  	_ =	shalt  }
0x67: {  	_ =	shalt  }
0x68: {  	_ =	shalt  }
0x69: {  	_ =	shalt  }
0x6a: {  	_ =	shalt  }
0x6b: {  	_ =	shalt  }
0x6c: {  	_ =	shalt  }
0x6d: {  	_ =	shalt  }
0x6e: {  	_ =	shalt  }
0x6f: {  	_ =	shalt  }
0x70: {  	_ =	shalt  }
0x71: {  	_ =	shalt  }
0x72: {  	_ =	shalt  }
0x73: {  	_ =	shalt  }
0x74: {  	_ =	shalt  }
0x75: {  	_ =	shalt  }
0x76: {  	_ =	shalt  }
0x77: {  	_ =	shalt  }
0x78: {  	_ =	shalt  }
0x79: {  	_ =	shalt  }
0x7a: {  	_ =	shalt  }
0x7b: {  	_ =	shalt  }
0x7c: {  	_ =	shalt  }
0x7d: {  	_ =	shalt  }
0x7e: {  	_ =	shalt  }
0x7f: {  	_ =	shalt  }
0x80: {  	_ =	shalt  }
0x81: {  	_ =	shalt  }
0x82: {  	_ =	shalt  }
0x83: {  	_ =	shalt  }
0x84: {  	_ =	shalt  }
0x85: {  	_ =	shalt  }
0x86: {  	_ =	shalt  }
0x87: {  	_ =	shalt  }
.Lfunc_end0:
.L_simem_size_0:
called_computation_lowered:
.L_overlay_start_0:
0x88: {  	s2 =	sld [smem:$0x3FD9]  }
0x89: {  	s3 =	sld [smem:$0x3FFE];
	_ =	sdelay $0x1  }
0x8a: {  	s1 =	srdreg.scid  }
0x8b: {  	s0 =	sand.u32 $0x1, s1  }
0x8c: {  	s18 =	sshll.u32 s0, $0xA;
	s2 =	sadd.s32 s3, s2  }
0x8d: {  	s2 =	sadd.s32 s2, s18  }
0x8e: {  	[smem:$0x3FC5] =	sst s2  }
0x8f: {  	_ = 	snop  }
0x90: {  	s2 =	sld [smem:$0x3FC9]  }
0x91: {  	s19 =	sld [smem:$0x3FC8]  }
0x92: {  	s4 =	sld [smem:$0x3FC7]  }
0x93: {  	s5 =	sld [smem:$0x3FD0];
	(tm) =	ssettm $0x1  }
0x94: {  	s6 =	sld [smem:$0x3FFB];
	_ =	sdelay $0x3  }
0x95: {  	_ =	strace s6  }
0x96: {  	s6 =	sld [smem:$0x3FFC];
	_ =	sdelay $0x3  }
0x97: {  	_ =	strace s6  }
0x98: {  	s6 =	sld [smem:$0x3FFD];
	_ =	sdelay $0x3  }
0x99: {  	_ =	strace s6  }
0x9a: {  	_ =	strace $0x8FFFFFFF  }
0x9b: {  	s20 =	sld [smem:$0x3FDB];
	_ =	sdelay $0x1  }
0x9c: {  	s7 =	simm.s32 $_scs_section_size  }
0x9d: {  	s8 =	simm.s32 $_size__tile_overlayer_lowered;
	s9 =	simm.s32 $_tile_overlayer_lowered  }
0x9e: {  	s23 =	simm.s32 $0x1BFF;
	s22 =	sshll.u32 s9, $0x1;
	s6 =	sadd.s32 s7, s20  }
0x9f: {  	s10 =	simm.s32 $0x0;
	s21 =	sshll.u32 s8, $0x1;
	s8 =	sadd.s32 s22, s6  }
0xa0: {  	[timem:s10], [sflag:s23] =	dma.local [hbm:s8], s21  }
0xa1: {  	_ =	swait.ge [sflag:s23], s21  }
0xa2: {  	s7 =	ssub.s32 $0x0, s21;
	[sflag:s23] =	ssyncset.done $0x0  }
0xa3: {  	[sflag:s23] =	ssyncadd.s32 s7;
	_ =	sdelay $0x1  }
0xa4: {  	s24 =	simm.s32 $0x1B8B  }
0xa5: {  	_ =	swait.ge [sflag:s24], $0x1  }
0xa6: {  	[sflag:s24] =	ssyncset.done $0x0  }
0xa7: {  	s25 =	simm.s32 $0x1B8E;
	[sflag:s24] =	ssyncadd.s32 $0xFFFFFFFF  }
0xa8: {  	s26 =	simm.s32 $execute0_lowered;
	[smem:$0x3FD2] =	sst s25  }
0xa9: {  	s7 =	sshll.u32 s26, $0x1;
	_ =	strace $0x80000046;
	[dreg:$0x1] =	wrdreg $0xFFFFFFFF  }
0xaa: {  	s28 =	simm.s32 $_size_execute0_lowered;
	s6 =	sadd.s32 s6, s7;
	[dreg:$0x0] =	wrdreg $0x0  }
0xab: {  	s7 =	sshll.u32 s28, $0x1;
	[dreg:$0x2] =	wrdreg s6  }
0xac: {  	[dreg:$0x3] =	wrdreg s7  }
0xad: {  	[dreg:$0x4] =	wrdreg $0xC0  }
0xae: {  	_ =	task [dreg:s10], $0x5FFFF  }
0xaf: {  	[dreg:$0x1] =	wrdreg $0xFFFFFFFF  }
0xb0: {  	[dreg:$0x0] =	wrdreg $0x60  }
0xb1: {  	[dreg:$0x2] =	wrdreg s4  }
0xb2: {  	[dreg:$0x3] =	wrdreg s19  }
0xb3: {  	[dreg:$0x4] =	wrdreg s2  }
0xb4: {  	[dreg:$0x5] =	wrdreg s5  }
0xb5: {  	[dreg:$0x6] =	wrdreg $0x9  }
0xb6: {  	_ =	task.clear_ibuf [dreg:s10], $0x7FFFF;
	_ =	strace $0x90000046  }
0xb7: {  	s29 =	simm.s32 $0x9;
	_ =	strace $0x80000048  }
0xb8: {  	_ =	swait.ge [sflag:s29], $0x1  }
0xb9: {  	[sflag:s29] =	ssyncadd.s32 $0xFFFFFFFF  }
0xba: {  	_ =	strace $0x90000048  }
0xbb: {  	_ =	sfence  }
0xbc: {  	s30 =	sld [smem:$0x0];
	_ =	sdelay $0x2  }
0xbd: {  	s31 =	sshll.u32 s1, $0xD;
	s1 =	sshrl.u32 s1, $0x2  }
0xbe: {  	s3 =	sand.u32 $0x4000, s31;
	s1 =	sadd.s32 s1, s30  }
0xbf: {  	s0 =	sor.u32 s3, s0;
	s1 =	sshll.u32 s1, $0x11  }
0xc0: {  	s0 =	sor.u32 s1, s0  }
0xc1: {  	s0 =	sadd.s32 $0x8F2B, s0  }
0xc2: {  	[sflag:s0] =	ssyncadd.remote.s32 $0x1  }
0xc3: {  	_ =	sfence.sel $0xFFFF  }
0xc4: {  	[dreg:$0x0] =	wrdreg $0xFFFFFFFF;
	(pc) =	sbr.abs _section_cstart, $3  }
0xc5: {  	[dreg:$0x1] =	wrdreg $0xFFFFFFFF  }
0xc6: {  	_ =	task.clear_ibuf [dreg:s10], $0x2FFFF;
	_ =	strace $0x9FFFFFFF  }
0xc7: {  	(tm) =	ssettm $0x7FFFFFFF  }
tec
execute0_lowered:
.L_overlay_start_1:
0x0: {  	(tag) =	ssettag $0x1  }
0x1: {  	s3 =	rddreg [dreg:$0x0]  }
0x2: {  	s4 =	rddreg [dreg:$0x1]  }
0x3: {  	s5 =	rddreg [dreg:$0x3];
	s0 =	srdreg.scid;
	s6 =	simm.s32 $0x0  }
0x4: {  	s7 =	stileid.u32;
	s8 =	simm.s32 $0x5;
	s9 =	simm.s32 $0x280  }
0x5: {  	s0 =	sand.u32 $0x1, s0;
	[smem:$0x7FF] =	sst s6;
	s10 =	sadd.s32 $0x100, s3  }
0x6: {  	s11 =	sadd.s32 $0x200, s3;
	s12 =	sadd.s32 $0x300, s3;
	s13 =	sadd.s32 $0x400, s3  }
0x7: {  	s14 =	sadd.s32 $0x500, s3;
	s15 =	sadd.s32 $0x600, s3;
	s18 =	sadd.s32 $0x100, s4  }
0x8: {  	s19 =	sadd.s32 $0x200, s4;
	_ =	strace $0x80000047;
	[dreg:$0x8] =	wrdreg s18  }
0x9: {  	s16 =	sadd.s32 $0x700, s3;
	s20 =	sadd.s32 $0x300, s4;
	[dreg:$0x9] =	wrdreg s19  }
0xa: {  	s21 =	sadd.s32 $0x400, s4;
	s24 =	sadd.s32 $0x500, s4;
	[dreg:$0xa] =	wrdreg s20  }
0xb: {  	s25 =	sadd.s32 $0x600, s4;
	s26 =	sadd.s32 $0x700, s4;
	[dreg:$0xb] =	wrdreg s21  }
0xc: {  	s28 =	sadd.s32 $0x200, s5;
	s29 =	sadd.s32 $0x300, s5;
	[dreg:$0xc] =	wrdreg s24  }
0xd: {  	s30 =	sadd.s32 $0x400, s5;
	s31 =	sadd.s32 $0x500, s5;
	[dreg:$0xd] =	wrdreg s25  }
0xe: {  	s1 =	ssub.s32 $0x2, s0;
	s0 =	sshll.u32 s0, $0x4;
	[dreg:$0xf] =	wrdreg s26  }
0xf: {  	s26 =	sadd.s32 $0x100, s5;
	s2 =	sshrl.u32 s1, $0x1;
	s7 =	sor.u32 s7, s0  }
0x10: {  	s1 =	ssub.s32 s1, s2;
	s23 =	sshll.u32 s7, $0x4;
	s22 =	sshll.u32 s7, $0x3  }
.Ltmp0:
0x11: {  	s0 =	sshll.u32 s7, $0xB;
	s17 =	sshll.u32 s7, $0xC;
	(pc) =	sbr.rel .LBB2_1-.Ltmp0, $4  }
0x12: {  	v1 =	vlaneseq.u32;
	v4 =	vimm.s32 $0x0;
	s2 =	simm.s32 $0x300;
	s0 =	sadd.s32 s4, s0;
	[dreg:$0x5] =	wrdreg s23  }
0x13: {  	vm0 =	vmmov $0xffff;
	v6 =	vshrl.u32 v1, $0x3;
	s1 =	smax.u32 s1, $0x1;
	v0 =	vmov s22;
	s22 =	simm.s32 $0x0;
	[dreg:$0x6] =	wrdreg s0  }
0x14: {  	v5 =	vand.u32 $0x7, v1;
	v7 =	vor.u32 $0x8, v1;
	v8 =	vor.u32 $0x80000000, v1;
	s0 =	sadd.s32 s5, s17;
	s17 =	simm.s32 $0x200;
	[dreg:$0xe] =	wrdreg s1  }
0x15: {  	v6 =	vmul.u32 $0x8, v6;
	v3 =	vor.u32 s23, v1;
	v2 =	vxor.u32 $0xFFFFFFFF, v0;
	[dreg:$0x7] =	wrdreg s0;
	s0 =	sadd.s32 $0x600, s5;
	s5 =	sadd.s32 $0x700, s5  }
.LBB2_4:
0x16: {  	v9 =	vld.msk [tilespmem:$0x280], $0xff;
	_ =	sdelay $0x4  }
0x17: {  	v10 =	vshll.u32 v9, $0x4  }
0x18: {  	v9 =	vand.u32 $0x7, v9;
	v10 =	vand.u32 $0xFFFFFF80, v10  }
0x19: {  	v9 =	vor.u32 v9, v10  }
0x1a: {  	v9 =	vperm.xlane v9, v5;
	_ =	sdelay $0x1  }
0x1b: {  	v9 =	vadd.s32 v6, v9;
	_ =	sdelay $0x3  }
0x1c: {  	s1 =	rddreg [dreg:$0x0];
	s4 =	simm.s32 $0x580  }
0x1d: {  	[tilespmem:s4], [sflag:$0x1] =	stream.indirect_vreg.gather [hbm4b:s1+s6], $0x80, v9, vm0, $0xb8;
	[tilespmem:$0x10580] =	vst v63  }
0x1e: {  	s20 =	simm.s32 $0xD80  }
0x1f: {  	[tilespmem:s20], [sflag:$0x1] =	stream.indirect_vreg.gather [hbm4b:s10+s6], $0x80, v9, vm0, $0xb8;
	[tilespmem:$0x10580] =	vst v63  }
0x20: {  	s21 =	simm.s32 $0x1580  }
0x21: {  	[tilespmem:s21], [sflag:$0x1] =	stream.indirect_vreg.gather [hbm4b:s11+s6], $0x80, v9, vm0, $0xb8;
	[tilespmem:$0x10580] =	vst v63  }
0x22: {  	s19 =	simm.s32 $0x1D80  }
0x23: {  	[tilespmem:s19], [sflag:$0x1] =	stream.indirect_vreg.gather [hbm4b:s12+s6], $0x80, v9, vm0, $0xb8;
	[tilespmem:$0x10580] =	vst v63  }
0x24: {  	s23 =	simm.s32 $0x2580  }
0x25: {  	[tilespmem:s23], [sflag:$0x1] =	stream.indirect_vreg.gather [hbm4b:s13+s6], $0x80, v9, vm0, $0xb8;
	[tilespmem:$0x10580] =	vst v63  }
0x26: {  	s24 =	simm.s32 $0x2D80  }
0x27: {  	[tilespmem:s24], [sflag:$0x1] =	stream.indirect_vreg.gather [hbm4b:s14+s6], $0x80, v9, vm0, $0xb8;
	[tilespmem:$0x10580] =	vst v63  }
0x28: {  	s25 =	simm.s32 $0x3580  }
0x29: {  	[tilespmem:s25], [sflag:$0x1] =	stream.indirect_vreg.gather [hbm4b:s15+s6], $0x80, v9, vm0, $0xb8;
	[tilespmem:$0x10580] =	vst v63  }
0x2a: {  	s18 =	simm.s32 $0x3D80;
	s3 =	simm.s32 $0x2  }
0x2b: {  	[tilespmem:s18], [sflag:$0x1] =	stream.indirect_vreg.gather [hbm4b:s16+s6], $0x80, v9, vm0, $0xb8;
	[tilespmem:$0x10580] =	vst v63  }
0x2c: {  	_ =	swait.ge [sflag:s3], $0x4000  }
0x2d: {  	[sflag:s3] =	ssyncset.done $0x0  }
0x2e: {  	[sflag:s3] =	ssyncadd.s32 $0xFFFFC000  }
0x2f: {  	v9 =	vld.msk [tilespmem:$0x300], $0xff;
	_ =	sdelay $0x4  }
0x30: {  	v10 =	vshll.u32 v9, $0x4  }
0x31: {  	v9 =	vand.u32 $0x7, v9;
	v10 =	vand.u32 $0xFFFFFF80, v10  }
0x32: {  	v9 =	vor.u32 v9, v10  }
0x33: {  	v9 =	vperm.xlane v9, v5;
	_ =	sdelay $0x1  }
0x34: {  	v9 =	vadd.s32 v6, v9;
	_ =	sdelay $0x3  }
0x35: {  	s3 =	simm.s32 $0x8580;
	s1 =	rddreg [dreg:$0x3]  }
0x36: {  	[hbm4b:s1+s6] =	stream.indirect_vreg.scatter [tilespmem:s3], [sflag:$0x3], $0x80, v9, vm0, $0xb8;
	[tilespmem:$0x10580] =	vst v63  }
0x37: {  	s3 =	simm.s32 $0x8D80  }
0x38: {  	[hbm4b:s26+s6] =	stream.indirect_vreg.scatter [tilespmem:s3], [sflag:$0x3], $0x80, v9, vm0, $0xb8;
	[tilespmem:$0x10580] =	vst v63  }
0x39: {  	s3 =	simm.s32 $0x9580  }
0x3a: {  	[hbm4b:s28+s6] =	stream.indirect_vreg.scatter [tilespmem:s3], [sflag:$0x3], $0x80, v9, vm0, $0xb8;
	[tilespmem:$0x10580] =	vst v63  }
0x3b: {  	s3 =	simm.s32 $0x9D80  }
0x3c: {  	[hbm4b:s29+s6] =	stream.indirect_vreg.scatter [tilespmem:s3], [sflag:$0x3], $0x80, v9, vm0, $0xb8;
	[tilespmem:$0x10580] =	vst v63  }
0x3d: {  	s3 =	simm.s32 $0xA580  }
0x3e: {  	[hbm4b:s30+s6] =	stream.indirect_vreg.scatter [tilespmem:s3], [sflag:$0x3], $0x80, v9, vm0, $0xb8;
	[tilespmem:$0x10580] =	vst v63  }
0x3f: {  	s3 =	simm.s32 $0xAD80  }
0x40: {  	[hbm4b:s31+s6] =	stream.indirect_vreg.scatter [tilespmem:s3], [sflag:$0x3], $0x80, v9, vm0, $0xb8;
	[tilespmem:$0x10580] =	vst v63  }
0x41: {  	s3 =	simm.s32 $0xB580  }
0x42: {  	[hbm4b:s0+s6] =	stream.indirect_vreg.scatter [tilespmem:s3], [sflag:$0x3], $0x80, v9, vm0, $0xb8;
	[tilespmem:$0x10580] =	vst v63  }
0x43: {  	s3 =	simm.s32 $0xBD80  }
0x44: {  	[hbm4b:s5+s6] =	stream.indirect_vreg.scatter [tilespmem:s3], [sflag:$0x3], $0x80, v9, vm0, $0xb8;
	[tilespmem:$0x10580] =	vst v63  }
0x45: {  	s3 =	simm.s32 $0x1  }
0x46: {  	_ =	swait.ge [sflag:s3], $0x4000  }
0x47: {  	[sflag:s3] =	ssyncset.done $0x0  }
0x48: {  	[sflag:s3] =	ssyncadd.s32 $0xFFFFC000  }
0x49: {  	v9 =	vld.msk [tilespmem:$0x200], $0xff;
	_ =	sdelay $0x4  }
0x4a: {  	v10 =	vshll.u32 v9, $0x4  }
0x4b: {  	v9 =	vand.u32 $0x7, v9;
	v10 =	vand.u32 $0xFFFFFF80, v10  }
0x4c: {  	v9 =	vor.u32 v9, v10  }
0x4d: {  	v9 =	vperm.xlane v9, v5;
	_ =	sdelay $0x1  }
0x4e: {  	v9 =	vadd.s32 v6, v9;
	_ =	sdelay $0x4  }
0x4f: {  	[hbm4b:s1+s6] =	stream.indirect_vreg.scatter [tilespmem:s4], [sflag:$0x4], $0x80, v9, vm0, $0xb8;
	[tilespmem:$0x10580] =	vst v63  }
0x50: {  	_ = 	snop  }
0x51: {  	[hbm4b:s26+s6] =	stream.indirect_vreg.scatter [tilespmem:s20], [sflag:$0x4], $0x80, v9, vm0, $0xb8;
	[tilespmem:$0x10580] =	vst v63  }
0x52: {  	_ = 	snop  }
0x53: {  	[hbm4b:s28+s6] =	stream.indirect_vreg.scatter [tilespmem:s21], [sflag:$0x4], $0x80, v9, vm0, $0xb8;
	[tilespmem:$0x10580] =	vst v63  }
0x54: {  	_ = 	snop  }
0x55: {  	[hbm4b:s29+s6] =	stream.indirect_vreg.scatter [tilespmem:s19], [sflag:$0x4], $0x80, v9, vm0, $0xb8;
	[tilespmem:$0x10580] =	vst v63  }
0x56: {  	_ = 	snop  }
0x57: {  	[hbm4b:s30+s6] =	stream.indirect_vreg.scatter [tilespmem:s23], [sflag:$0x4], $0x80, v9, vm0, $0xb8;
	[tilespmem:$0x10580] =	vst v63  }
0x58: {  	_ = 	snop  }
0x59: {  	[hbm4b:s31+s6] =	stream.indirect_vreg.scatter [tilespmem:s24], [sflag:$0x4], $0x80, v9, vm0, $0xb8;
	[tilespmem:$0x10580] =	vst v63  }
0x5a: {  	_ = 	snop  }
0x5b: {  	[hbm4b:s0+s6] =	stream.indirect_vreg.scatter [tilespmem:s25], [sflag:$0x4], $0x80, v9, vm0, $0xb8;
	[tilespmem:$0x10580] =	vst v63  }
0x5c: {  	s24 =	simm.s32 $0x3  }
0x5d: {  	[hbm4b:s5+s6] =	stream.indirect_vreg.scatter [tilespmem:s18], [sflag:$0x4], $0x80, v9, vm0, $0xb8;
	[tilespmem:$0x10580] =	vst v63  }
0x5e: {  	_ =	swait.ge [sflag:s24], $0x4000  }
0x5f: {  	[sflag:s24] =	ssyncset.done $0x0  }
0x60: {  	s25 =	simm.s32 $0x4;
	[sflag:s24] =	ssyncadd.s32 $0xFFFFC000  }
0x61: {  	_ =	swait.ge [sflag:s25], $0x4000  }
0x62: {  	[sflag:s25] =	ssyncset.done $0x0  }
0x63: {  	[sflag:s25] =	ssyncadd.s32 $0xFFFFC000  }
.LBB2_9:
0x64: {  	s22 =	sadd.s32 $0x1, s22;
	s1 =	rddreg [dreg:$0xe]  }
0x65: {  	p0 =	sne.s32 s22, s1  }
.Ltmp1:
0x66: {  	_ = 	snop;
	(pc) =	sbr.rel @!p0 .LBB2_10-.Ltmp1, $1  }
0x67: {  	_ =	sdelay $0x3  }
.LBB2_1:
0x68: {  	s1 =	rddreg [dreg:$0x6];
	s3 =	simm.s32 $0x8580  }
0x69: {  	[tilespmem:s3], [sflag:$0x2] =	stream.linear.gather [hbm4b:s1+s6], $0x4000, $0x38;
	[tilespmem:$0x10580] =	vst v63  }
0x6a: {  	s24 =	rddreg [dreg:$0x2]  }
0x6b: {  	[tilespmem:s6], [sflag:$0x5] =	stream.linear.gather [hbm4b:s24+s6], $0x200, $0x38;
	[tilespmem:$0x10580] =	vst v63  }
0x6c: {  	_ =	swait.ge [sflag:s8], $0x200  }
0x6d: {  	[sflag:s8] =	ssyncset.done $0x0  }
0x6e: {  	[sflag:s8] =	ssyncadd.s32 $0xFFFFFE00  }
0x6f: {  	v9 =	vld [tilespmem:s6+$0x0];
	_ =	sdelay $0x4  }
0x70: {  	vm1 =	veq.s32 v9, $0x25067  }
0x71: {  	v10 =	vsel vm1, $0x1, v4  }
0x72: {  	(xrf0) =	vadd.scan.msk.s32 $0xffff, v10;
	_ =	sdelay $0x5  }
0x73: {  	v10 =	vadd.s32 v2, v4;
	v11, _, _ =	vpop (xrf0)  }
0x74: {  	v10 =	vadd.s32 v11, v10;
	v11 =	vadd.s32 v11, v0  }
0x75: {  	vm2 =	vne.s32 v9, $0x25067;
	vm3 =	vlt.u32 v10, $0x8;
	v11 =	vsub.s32 v4, v11  }
0x76: {  	vm4 =	vgt.s32 v10, $0x0;
	vm3 =	vmand vm1, vm3;
	v11 =	vadd.s32 v1, v11  }
0x77: {  	v10 =	vnsel vm4, $0x0, v10;
	vm15 =	vlt.u32 v11, $0x8;
	vm5 =	vgt.s32 v11, $0x0  }
0x78: {  	v10 =	vmin.u32 v10, $0x7;
	vm2 =	vmand vm15, vm2;
	v11 =	vnsel vm5, $0x0, v11  }
0x79: {  	v11 =	vmin.u32 v11, $0x7;
	_ =	sdelay $0x1  }
0x7a: {  	s25 =	simm.s32 $0x0  }
0x7b: {  	v13 =	vor.u32 s25, v1;
	v12 =	vmpcnt.ones.xlane vm1  }
0x7c: {  	p0 =	sgt.u32 s7, $0x0;
	[tilespmem:v10+s2+$0x0] =	vst.idx.msk vm3, v13  }
0x7d: {  	v14 =	vpsel !p0, $0x0, v12;
	v10 =	vsub.s32 v4, v12;
	[tilespmem:v11+s17+$0x0] =	vst.idx.msk vm2, v13  }
0x7e: {  	s25 =	simm.s32 $0x10;
	[tilespmem:v11+s9+$0x0] =	vst.idx.msk vm2, v9  }
0x7f: {  	p6 =	seq.s32 s7, $0x0;
	v15 =	vadd.s32 $0x10, v10;
	v13 =	vadd.s32 v4, v12;
	v12 =	vld [tilespmem:s25+$0x0]  }
0x80: {  	s23 =	simm.s32 $0xFFFFFE10;
	s1 =	simm.s32 $0xFFFFFE20;
	s24 =	simm.s32 $0x0;
	v9 =	vpsel p6, v9, v4;
	v11 =	vadd.s32 v4, v14;
	v14 =	vmovc v13;
	v10 =	vmov v15  }
.LBB2_2:
0x81: {  	p0 =	sne.s32 s1, $0xFFFFFFF0  }
0x82: {  	s24 =	sadd.s32 $0x1, s24  }
0x83: {  	p1 =	seq.s32 s7, s24  }
0x84: {  	vm1 =	veq.s32 v12, $0x25067;
	v9 =	vpsel p1, v12, v9  }
0x85: {  	v16 =	vsel vm1, $0x1, v4;
	v17 =	vmpcnt.ones.xlane vm1  }
0x86: {  	p1 =	slt.u32 s24, s7;
	(xrf0) =	vadd.scan.msk.s32 $0xffff, v16  }
0x87: {  	v13 =	vadd.s32 v13, v17;
	v15 =	vsub.s32 v15, v17;
	v16 =	vpsel !p1, $0x0, v17  }
0x88: {  	v15 =	vadd.s32 $0x10, v15;
	v11 =	vadd.s32 v11, v16;
	_ =	sdelay $0x3  }
0x89: {  	v16 =	vadd.s32 v2, v14;
	v14 =	vmov v13;
	v17, _, _ =	vpop (xrf0)  }
0x8a: {  	v16 =	vadd.s32 v17, v16;
	v17 =	vadd.s32 v17, v0  }
0x8b: {  	vm2 =	vne.s32 v12, $0x25067;
	vm3 =	vlt.u32 v16, $0x8;
	v17 =	vsub.s32 v10, v17;
	v10 =	vmovc v15  }
0x8c: {  	vm1 =	vmand vm1, vm3;
	vm3 =	vgt.s32 v16, $0x0;
	v17 =	vadd.s32 v1, v17  }
0x8d: {  	v16 =	vnsel vm3, $0x0, v16;
	vm3 =	vlt.u32 v17, $0x8;
	vm4 =	vgt.s32 v17, $0x0  }
0x8e: {  	v16 =	vmin.u32 v16, $0x7;
	vm2 =	vmand vm3, vm2;
	v17 =	vnsel vm4, $0x0, v17  }
0x8f: {  	v17 =	vmin.u32 v17, $0x7;
	_ =	sdelay $0x1  }
0x90: {  	s4 =	sadd.s32 $0x200, s23;
	s23 =	smov.u32 s1  }
0x91: {  	v18 =	vor.u32 s4, v1  }
.Ltmp2:
0x92: {  	[tilespmem:v16+s2+$0x0] =	vst.idx.msk vm1, v18;
	(pc) =	sbr.rel @p0 .LBB2_2-.Ltmp2, $4  }
0x93: {  	[tilespmem:v17+s17+$0x0] =	vst.idx.msk vm2, v18  }
0x94: {  	s25 =	sadd.s32 $0x10, s25;
	[tilespmem:v17+s9+$0x0] =	vst.idx.msk vm2, v12  }
0x95: {  	v12 =	vld [tilespmem:s25+$0x0]  }
0x96: {  	s1 =	sadd.s32 $0x10, s1  }
0x97: {  	_ =	sdelay $0x2  }
0x98: {  	vm1 =	veq.s32 v12, $0x25067  }
0x99: {  	v15 =	vmpcnt.ones.xlane vm1;
	_ =	sdelay $0x1  }
0x9a: {  	v16 =	vsel vm1, $0x1, v4;
	v13 =	vadd.s32 v13, v15  }
0x9b: {  	(xrf0) =	vadd.scan.msk.s32 $0xffff, v16;
	v13 =	vxor.u32 $0x80000000, v13  }
0x9c: {  	(xrf0) =	vmax.scan.msk.u32 $0xffff, v13;
	_ =	sdelay $0x4  }
0x9d: {  	v59, _, _ =	vpop (xrf0)  }
0x9e: {  	v60, _, _ =	vpop (xrf0)  }
0x9f: {  	(v2sf) =	vpush v60, $0xF;
	_ =	sdelay $0x8  }
0xa0: {  	v14 =	vadd.s32 v2, v14  }
0xa1: {  	v14 =	vadd.s32 v59, v14;
	v13 =	vadd.s32 v59, v0  }
0xa2: {  	vm2 =	vne.s32 v12, $0x25067;
	vm3 =	vlt.u32 v14, $0x8;
	v10 =	vsub.s32 v10, v13  }
0xa3: {  	vm1 =	vmand vm1, vm3;
	vm3 =	vgt.s32 v14, $0x0;
	v10 =	vadd.s32 v1, v10  }
0xa4: {  	v61 =	vnsel vm3, $0x0, v14;
	vm3 =	vlt.u32 v10, $0x8;
	vm4 =	vgt.s32 v10, $0x0  }
0xa5: {  	s4 =	sadd.s32 $0x1, s24;
	v13 =	vmin.u32 v61, $0x7;
	vm2 =	vmand vm3, vm2;
	v10 =	vnsel vm4, $0x0, v10  }
0xa6: {  	p0 =	slt.u32 s4, s7;
	v62 =	vmin.u32 v10, $0x7;
	s25 =	spop (v2sf)  }
0xa7: {  	v63 =	vpsel !p0, $0x0, v15;
	p0 =	sne.s32 s25, $0x80000100  }
.Ltmp3:
0xa8: {  	s1 =	sadd.s32 $0x200, s23;
	(pc) =	sbr.rel @!p0 .LBB2_4-.Ltmp3, $4  }
0xa9: {  	v10 =	vor.u32 s1, v1  }
0xaa: {  	[tilespmem:v13+s2+$0x0] =	vst.idx.msk vm1, v10  }
0xab: {  	p1 =	seq.s32 s7, s4;
	[tilespmem:v62+s17+$0x0] =	vst.idx.msk vm2, v10  }
0xac: {  	v10 =	vpsel p1, v12, v9;
	v9 =	vadd.s32 v11, v63;
	[tilespmem:v62+s9+$0x0] =	vst.idx.msk vm2, v12  }
0xad: {  	vm1 =	veq.s32 v10, $0x25067  }
0xae: {  	v11 =	vmpcnt.ones.xlane vm1  }
0xaf: {  	s4 =	simm.s32 $0x2  }
0xb0: {  	_ =	swait.ge [sflag:s4], $0x4000;
	v11 =	vxor.u32 $0x80000000, v11  }
0xb1: {  	(xrf0) =	vmax.scan.msk.u32 $0xffff, v11;
	_ =	sdelay $0x5  }
0xb2: {  	v11, _, _ =	vpop (xrf0)  }
0xb3: {  	(v2sf) =	vpush v11, $0xF;
	_ =	sdelay $0xe  }
0xb4: {  	s23 =	spop (v2sf)  }
0xb5: {  	s1 =	sxor.u32 $0x80000000, s23  }
0xb6: {  	p0 =	seq.s32 s1, $0x10  }
0xb7: {  	p2 =	sne.s32 @!p0 s1, $0x0  }
0xb8: {  	p1 =	por p2, p0  }
0xb9: {  	v11 =	vshll.u32 @!p1 v10, $0x4  }
0xba: {  	v12 =	vand.u32 @!p1 $0x7, v10;
	v13 =	vlaneseq.u32 @!p1;
	v11 =	vand.u32 @!p1 $0xFFFFFF80, v11  }
0xbb: {  	v14 =	vshrl.u32 @!p1 v13, $0x3;
	v11 =	vor.u32 @!p1 v12, v11;
	v12 =	vand.u32 @!p1 $0x7, v13  }
0xbc: {  	v14 =	vmul.u32 @!p1 $0x8, v14;
	v12 =	vperm.xlane @!p1 v11, v12;
	_ =	sdelay $0x1  }
0xbd: {  	v12 =	vadd.s32 @!p1 v14, v12;
	_ =	sdelay $0x1  }
0xbe: {  	[sflag:s4] =	ssyncset.done $0x0  }
0xbf: {  	[sflag:s4] =	ssyncadd.s32 $0xFFFFC000  }
0xc0: {  	s25 =	rddreg [dreg:$0x0];
	[tilespmem:$0x380] =	vst @!p1 v10;
	vm2 =	vmmov @!p1 $0xffff;
	s1 =	simm.s32 @!p1 $0x0;
	s4 =	simm.s32 @!p1 $0x580  }
0xc1: {  	[tilespmem:s4], [sflag:$0x1] =	stream.indirect_vreg.gather @!p1 [hbm4b:s25+s1], $0x80, v12, vm2, $0xb8;
	[tilespmem:$0x10580] =	vst v63  }
0xc2: {  	s24 =	simm.s32 @!p1 $0xD80  }
0xc3: {  	[tilespmem:s24], [sflag:$0x1] =	stream.indirect_vreg.gather @!p1 [hbm4b:s10+s1], $0x80, v12, vm2, $0xb8;
	[tilespmem:$0x10580] =	vst v63  }
0xc4: {  	s24 =	simm.s32 @!p1 $0x1580  }
0xc5: {  	[tilespmem:s24], [sflag:$0x1] =	stream.indirect_vreg.gather @!p1 [hbm4b:s11+s1], $0x80, v12, vm2, $0xb8;
	[tilespmem:$0x10580] =	vst v63  }
0xc6: {  	s24 =	simm.s32 @!p1 $0x1D80  }
0xc7: {  	[tilespmem:s24], [sflag:$0x1] =	stream.indirect_vreg.gather @!p1 [hbm4b:s12+s1], $0x80, v12, vm2, $0xb8;
	[tilespmem:$0x10580] =	vst v63  }
0xc8: {  	s24 =	simm.s32 @!p1 $0x2580  }
0xc9: {  	v13 =	vor.u32 @!p1 $0x8, v13;
	[tilespmem:s24], [sflag:$0x1] =	stream.indirect_vreg.gather @!p1 [hbm4b:s13+s1], $0x80, v12, vm2, $0xb8;
	[tilespmem:$0x10580] =	vst v63  }
0xca: {  	v11 =	vperm.xlane @!p1 v11, v13;
	s24 =	simm.s32 @!p1 $0x2D80  }
0xcb: {  	[tilespmem:s24], [sflag:$0x1] =	stream.indirect_vreg.gather @!p1 [hbm4b:s14+s1], $0x80, v12, vm2, $0xb8;
	[tilespmem:$0x10580] =	vst v63  }
0xcc: {  	v11 =	vadd.s32 @!p1 v14, v11;
	s24 =	simm.s32 @!p1 $0x3580  }
0xcd: {  	[tilespmem:s24], [sflag:$0x1] =	stream.indirect_vreg.gather @!p1 [hbm4b:s15+s1], $0x80, v12, vm2, $0xb8;
	[tilespmem:$0x10580] =	vst v63  }
0xce: {  	s24 =	simm.s32 @!p1 $0x3D80  }
0xcf: {  	[tilespmem:s24], [sflag:$0x1] =	stream.indirect_vreg.gather @!p1 [hbm4b:s16+s1], $0x80, v12, vm2, $0xb8;
	[tilespmem:$0x10580] =	vst v63  }
0xd0: {  	s24 =	simm.s32 @!p1 $0x4580  }
0xd1: {  	[tilespmem:s24], [sflag:$0x1] =	stream.indirect_vreg.gather @!p1 [hbm4b:s25+s1], $0x80, v11, vm2, $0xb8;
	[tilespmem:$0x10580] =	vst v63  }
0xd2: {  	s24 =	simm.s32 @!p1 $0x4D80  }
0xd3: {  	[tilespmem:s24], [sflag:$0x1] =	stream.indirect_vreg.gather @!p1 [hbm4b:s10+s1], $0x80, v11, vm2, $0xb8;
	[tilespmem:$0x10580] =	vst v63  }
0xd4: {  	s24 =	simm.s32 @!p1 $0x5580  }
0xd5: {  	[tilespmem:s24], [sflag:$0x1] =	stream.indirect_vreg.gather @!p1 [hbm4b:s11+s1], $0x80, v11, vm2, $0xb8;
	[tilespmem:$0x10580] =	vst v63  }
0xd6: {  	s24 =	simm.s32 @!p1 $0x5D80  }
0xd7: {  	[tilespmem:s24], [sflag:$0x1] =	stream.indirect_vreg.gather @!p1 [hbm4b:s12+s1], $0x80, v11, vm2, $0xb8;
	[tilespmem:$0x10580] =	vst v63  }
0xd8: {  	s24 =	simm.s32 @!p1 $0x6580  }
0xd9: {  	v63 =	vsel vm1, $0x1, v4;
	[tilespmem:s24], [sflag:$0x1] =	stream.indirect_vreg.gather @!p1 [hbm4b:s13+s1], $0x80, v11, vm2, $0xb8;
	[tilespmem:$0x10580] =	vst v63  }
0xda: {  	(xrf0) =	vadd.scan.msk.s32 $0xffff, v63;
	s24 =	simm.s32 @!p1 $0x6D80  }
0xdb: {  	[tilespmem:s24], [sflag:$0x1] =	stream.indirect_vreg.gather @!p1 [hbm4b:s14+s1], $0x80, v11, vm2, $0xb8;
	[tilespmem:$0x10580] =	vst v63  }
0xdc: {  	s24 =	simm.s32 @!p1 $0x7580  }
0xdd: {  	[tilespmem:s24], [sflag:$0x1] =	stream.indirect_vreg.gather @!p1 [hbm4b:s15+s1], $0x80, v11, vm2, $0xb8;
	[tilespmem:$0x10580] =	vst v63  }
0xde: {  	s24 =	simm.s32 @!p1 $0x7D80  }
0xdf: {  	[tilespmem:s24], [sflag:$0x1] =	stream.indirect_vreg.gather @!p1 [hbm4b:s16+s1], $0x80, v11, vm2, $0xb8;
	[tilespmem:$0x10580] =	vst v63  }
0xe0: {  	v11, _, _ =	vpop (xrf0);
	s24 =	simm.s32 @!p1 $0x1  }
0xe1: {  	p3 =	sne.s32 @!p1 s23, $0x80000010;
	_ =	swait.ge @!p1 [sflag:s24], $0x8000  }
0xe2: {  	p2 =	por @!p0 p2, p3;
	[sflag:s24] =	ssyncset.done @!p1 $0x0  }
0xe3: {  	p0 =	por p0, !p2;
	[sflag:s24] =	ssyncadd.s32 @!p1 $0xFFFF8000;
	s24 =	rddreg [dreg:$0x7]  }
0xe4: {  	[hbm4b:s24+s1] =	stream.linear.scatter @!p1 [tilespmem:s4], [sflag:$0x5], $0x8000, $0x38;
	[tilespmem:$0x10580] =	vst v63  }
.Ltmp4:
0xe5: {  	_ = 	snop;
	(pc) =	sbr.rel @!p0 .LBB2_7-.Ltmp4, $4  }
0xe6: {  	s1 =	simm.s32 @!p1 $0x5  }
0xe7: {  	_ =	swait.ge @!p1 [sflag:s1], $0x8000  }
0xe8: {  	v11 =	vadd.s32 v11, v9;
	[sflag:s1] =	ssyncset.done @!p1 $0x0  }
0xe9: {  	v11 =	vadd.s32 $0xFFFFFFFF, v11;
	[sflag:s1] =	ssyncadd.s32 @!p1 $0xFFFF8000  }
0xea: {  	vm2 =	vgt.s32 v11, $0x0  }
0xeb: {  	v12 =	vnsel vm2, $0x0, v11  }
0xec: {  	v12 =	vmin.u32 v12, $0xFF  }
0xed: {  	v13 =	vshll.u32 v12, $0x4  }
0xee: {  	v14 =	vand.u32 $0x7, v12;
	v13 =	vand.u32 $0xF80, v13  }
0xef: {  	v13 =	vor.u32 v14, v13  }
0xf0: {  	v14 =	vperm.xlane v13, v5;
	_ =	sdelay $0x1  }
0xf1: {  	v14 =	vadd.s32 v6, v14;
	_ =	sdelay $0x3  }
0xf2: {  	s1 =	rddreg [dreg:$0x1];
	s3 =	simm.s32 $0x8580;
	[tilespmem:$0x400] =	vst v12  }
0xf3: {  	[tilespmem:s3], [sflag:$0x2] =	stream.indirect_vreg.gather [hbm4b:s1+s6], $0x80, v14, vm0, $0xb8;
	[tilespmem:$0x10580] =	vst v63  }
0xf4: {  	s4 =	rddreg [dreg:$0x8];
	s25 =	simm.s32 $0x8D80  }
0xf5: {  	[tilespmem:s25], [sflag:$0x2] =	stream.indirect_vreg.gather [hbm4b:s4+s6], $0x80, v14, vm0, $0xb8;
	[tilespmem:$0x10580] =	vst v63  }
0xf6: {  	s24 =	rddreg [dreg:$0x9];
	s18 =	simm.s32 $0x9580  }
0xf7: {  	[tilespmem:s18], [sflag:$0x2] =	stream.indirect_vreg.gather [hbm4b:s24+s6], $0x80, v14, vm0, $0xb8;
	[tilespmem:$0x10580] =	vst v63  }
0xf8: {  	s19 =	simm.s32 $0x9D80;
	s25 =	rddreg [dreg:$0xa]  }
0xf9: {  	[tilespmem:s19], [sflag:$0x2] =	stream.indirect_vreg.gather [hbm4b:s25+s6], $0x80, v14, vm0, $0xb8;
	[tilespmem:$0x10580] =	vst v63  }
0xfa: {  	s20 =	simm.s32 $0xA580;
	s19 =	rddreg [dreg:$0xb]  }
0xfb: {  	[tilespmem:s20], [sflag:$0x2] =	stream.indirect_vreg.gather [hbm4b:s19+s6], $0x80, v14, vm0, $0xb8;
	[tilespmem:$0x10580] =	vst v63  }
0xfc: {  	s21 =	simm.s32 $0xAD80;
	v63 =	vperm.xlane v13, v7;
	s20 =	rddreg [dreg:$0xc]  }
0xfd: {  	[tilespmem:s21], [sflag:$0x2] =	stream.indirect_vreg.gather [hbm4b:s20+s6], $0x80, v14, vm0, $0xb8;
	[tilespmem:$0x10580] =	vst v63  }
0xfe: {  	v12 =	vadd.s32 v6, v63;
	s18 =	simm.s32 $0xB580;
	s21 =	rddreg [dreg:$0xd]  }
0xff: {  	[tilespmem:s18], [sflag:$0x2] =	stream.indirect_vreg.gather [hbm4b:s21+s6], $0x80, v14, vm0, $0xb8;
	[tilespmem:$0x10580] =	vst v63  }
0x100: {  	s3 =	rddreg [dreg:$0xf];
	s18 =	simm.s32 $0xBD80  }
0x101: {  	[tilespmem:s18], [sflag:$0x2] =	stream.indirect_vreg.gather [hbm4b:s3+s6], $0x80, v14, vm0, $0xb8;
	[tilespmem:$0x10580] =	vst v63  }
0x102: {  	s18 =	simm.s32 $0xC580  }
0x103: {  	[tilespmem:s18], [sflag:$0x2] =	stream.indirect_vreg.gather [hbm4b:s1+s6], $0x80, v12, vm0, $0xb8;
	[tilespmem:$0x10580] =	vst v63  }
0x104: {  	s18 =	simm.s32 $0xCD80  }
0x105: {  	[tilespmem:s18], [sflag:$0x2] =	stream.indirect_vreg.gather [hbm4b:s4+s6], $0x80, v12, vm0, $0xb8;
	[tilespmem:$0x10580] =	vst v63  }
0x106: {  	s18 =	simm.s32 $0xD580  }
0x107: {  	[tilespmem:s18], [sflag:$0x2] =	stream.indirect_vreg.gather [hbm4b:s24+s6], $0x80, v12, vm0, $0xb8;
	[tilespmem:$0x10580] =	vst v63  }
0x108: {  	s24 =	simm.s32 $0xDD80  }
0x109: {  	[tilespmem:s24], [sflag:$0x2] =	stream.indirect_vreg.gather [hbm4b:s25+s6], $0x80, v12, vm0, $0xb8;
	[tilespmem:$0x10580] =	vst v63  }
0x10a: {  	s4 =	simm.s32 $0xE580  }
0x10b: {  	[tilespmem:s4], [sflag:$0x2] =	stream.indirect_vreg.gather [hbm4b:s19+s6], $0x80, v12, vm0, $0xb8;
	[tilespmem:$0x10580] =	vst v63  }
0x10c: {  	s18 =	simm.s32 $0xED80  }
0x10d: {  	[tilespmem:s18], [sflag:$0x2] =	stream.indirect_vreg.gather [hbm4b:s20+s6], $0x80, v12, vm0, $0xb8;
	[tilespmem:$0x10580] =	vst v63  }
0x10e: {  	s19 =	simm.s32 $0xF580  }
0x10f: {  	[tilespmem:s19], [sflag:$0x2] =	stream.indirect_vreg.gather [hbm4b:s21+s6], $0x80, v12, vm0, $0xb8;
	[tilespmem:$0x10580] =	vst v63  }
0x110: {  	s24 =	simm.s32 $0x2;
	s20 =	simm.s32 $0xFD80  }
0x111: {  	[tilespmem:s20], [sflag:$0x2] =	stream.indirect_vreg.gather [hbm4b:s3+s6], $0x80, v12, vm0, $0xb8;
	[tilespmem:$0x10580] =	vst v63  }
0x112: {  	_ =	swait.ge [sflag:s24], $0x8000  }
0x113: {  	[sflag:s24] =	ssyncset.done $0x0  }
0x114: {  	s21 =	simm.s32 $0x8580;
	s25 =	rddreg [dreg:$0x7];
	[sflag:s24] =	ssyncadd.s32 $0xFFFF8000  }
0x115: {  	[hbm4b:s25+s6] =	stream.linear.scatter [tilespmem:s21], [sflag:$0x5], $0x8000, $0x38;
	[tilespmem:$0x10580] =	vst v63  }
0x116: {  	_ =	swait.ge [sflag:s8], $0x8000  }
0x117: {  	[sflag:s8] =	ssyncset.done $0x0  }
0x118: {  	[sflag:s8] =	ssyncadd.s32 $0xFFFF8000  }
.LBB2_7:
0x119: {  	s1 =	sadd.s32 $0x7FFFFFFF, s23  }
0x11a: {  	p0 =	sgt.u32 s1, $0xE  }
.Ltmp5:
0x11b: {  	_ = 	snop;
	(pc) =	sbr.rel @p0 .LBB2_9-.Ltmp5, $1  }
0x11c: {  	_ =	sdelay $0x3  }
0x11d: {  	v12 =	vsel vm1, $0x80000010, v8  }
0x11e: {  	(xrf0) =	vmin.scan.msk.u32 $0xffff, v12;
	_ =	sdelay $0x5  }
0x11f: {  	v12, _, _ =	vpop (xrf0)  }
0x120: {  	(v2sf) =	vpush v12, $0xF;
	_ =	sdelay $0xe  }
0x121: {  	s23 =	rddreg [dreg:$0x5];
	s1 =	spop (v2sf)  }
0x122: {  	s1 =	sadd.s32 s1, s23  }
0x123: {  	v60 =	vnsel vm1, $0x80000010, v8;
	s1 =	sadd.s32 $0x80000000, s1  }
0x124: {  	(xrf0) =	vmin.scan.msk.u32 $0xffff, v60;
	v61 =	vmov s1;
	_ =	sdelay $0x4  }
0x125: {  	v12 =	vld.idx.msk [tilespmem:v61+s6+$0x0], $0xffff  }
0x126: {  	v13, _, _ =	vpop (xrf0)  }
0x127: {  	(v2sf) =	vpush v13, $0xF;
	_ =	sdelay $0x2  }
0x128: {  	v10 =	vsel vm1, v12, v10  }
0x129: {  	[tilespmem:$0x380] =	vst v10  }
0x12a: {  	v10 =	vld [tilespmem:$0x380];
	_ =	sdelay $0x4  }
0x12b: {  	v62 =	vshll.u32 v10, $0x4  }
0x12c: {  	v10 =	vand.u32 $0x7, v10;
	v12 =	vand.u32 $0xFFFFFF80, v62  }
0x12d: {  	v10 =	vor.u32 v10, v12  }
0x12e: {  	v9 =	vsel vm1, v11, v9;
	v11 =	vperm.xlane v10, v5  }
0x12f: {  	vm2 =	vgt.s32 v9, $0x0  }
0x130: {  	v9 =	vnsel vm2, $0x0, v9;
	s4 =	spop (v2sf);
	v11 =	vadd.s32 v6, v11  }
0x131: {  	v9 =	vmin.u32 v9, $0xFF;
	s4 =	sadd.s32 s4, s23  }
0x132: {  	v63 =	vsel vm1, s1, v3;
	[tilespmem:$0x400] =	vst v9;
	s4 =	sadd.s32 $0x80000000, s4  }
0x133: {  	[tilespmem:$0x480] =	vst v63;
	v9 =	vnsel vm1, s4, v3  }
0x134: {  	s25 =	simm.s32 $0x580;
	s1 =	rddreg [dreg:$0x0];
	[tilespmem:$0x500] =	vst v9  }
0x135: {  	[tilespmem:s25], [sflag:$0x1] =	stream.indirect_vreg.gather [hbm4b:s1+s6], $0x80, v11, vm0, $0xb8;
	[tilespmem:$0x10580] =	vst v63  }
0x136: {  	s3 =	simm.s32 $0xD80  }
0x137: {  	[tilespmem:s3], [sflag:$0x1] =	stream.indirect_vreg.gather [hbm4b:s10+s6], $0x80, v11, vm0, $0xb8;
	[tilespmem:$0x10580] =	vst v63  }
0x138: {  	s18 =	simm.s32 $0x1580  }
0x139: {  	[tilespmem:s18], [sflag:$0x1] =	stream.indirect_vreg.gather [hbm4b:s11+s6], $0x80, v11, vm0, $0xb8;
	[tilespmem:$0x10580] =	vst v63  }
0x13a: {  	s8 =	simm.s32 $0x1D80  }
0x13b: {  	[tilespmem:s8], [sflag:$0x1] =	stream.indirect_vreg.gather [hbm4b:s12+s6], $0x80, v11, vm0, $0xb8;
	[tilespmem:$0x10580] =	vst v63  }
0x13c: {  	s19 =	simm.s32 $0x2580  }
0x13d: {  	[tilespmem:s19], [sflag:$0x1] =	stream.indirect_vreg.gather [hbm4b:s13+s6], $0x80, v11, vm0, $0xb8;
	[tilespmem:$0x10580] =	vst v63  }
0x13e: {  	s20 =	simm.s32 $0x2D80;
	v9 =	vperm.xlane v10, v7  }
0x13f: {  	[tilespmem:s20], [sflag:$0x1] =	stream.indirect_vreg.gather [hbm4b:s14+s6], $0x80, v11, vm0, $0xb8;
	[tilespmem:$0x10580] =	vst v63  }
0x140: {  	s21 =	simm.s32 $0x3580;
	v9 =	vadd.s32 v6, v9  }
0x141: {  	[tilespmem:s21], [sflag:$0x1] =	stream.indirect_vreg.gather [hbm4b:s15+s6], $0x80, v11, vm0, $0xb8;
	[tilespmem:$0x10580] =	vst v63  }
0x142: {  	s23 =	simm.s32 $0x3D80  }
0x143: {  	[tilespmem:s23], [sflag:$0x1] =	stream.indirect_vreg.gather [hbm4b:s16+s6], $0x80, v11, vm0, $0xb8;
	[tilespmem:$0x10580] =	vst v63  }
0x144: {  	s24 =	simm.s32 $0x4580  }
0x145: {  	[tilespmem:s24], [sflag:$0x1] =	stream.indirect_vreg.gather [hbm4b:s1+s6], $0x80, v9, vm0, $0xb8;
	[tilespmem:$0x10580] =	vst v63  }
0x146: {  	s4 =	simm.s32 $0x4D80  }
0x147: {  	[tilespmem:s4], [sflag:$0x1] =	stream.indirect_vreg.gather [hbm4b:s10+s6], $0x80, v9, vm0, $0xb8;
	[tilespmem:$0x10580] =	vst v63  }
0x148: {  	s8 =	simm.s32 $0x5580  }
0x149: {  	[tilespmem:s8], [sflag:$0x1] =	stream.indirect_vreg.gather [hbm4b:s11+s6], $0x80, v9, vm0, $0xb8;
	[tilespmem:$0x10580] =	vst v63  }
0x14a: {  	s18 =	simm.s32 $0x5D80  }
0x14b: {  	[tilespmem:s18], [sflag:$0x1] =	stream.indirect_vreg.gather [hbm4b:s12+s6], $0x80, v9, vm0, $0xb8;
	[tilespmem:$0x10580] =	vst v63  }
0x14c: {  	s19 =	simm.s32 $0x6580  }
0x14d: {  	[tilespmem:s19], [sflag:$0x1] =	stream.indirect_vreg.gather [hbm4b:s13+s6], $0x80, v9, vm0, $0xb8;
	[tilespmem:$0x10580] =	vst v63  }
0x14e: {  	s20 =	simm.s32 $0x6D80  }
0x14f: {  	[tilespmem:s20], [sflag:$0x1] =	stream.indirect_vreg.gather [hbm4b:s14+s6], $0x80, v9, vm0, $0xb8;
	[tilespmem:$0x10580] =	vst v63  }
0x150: {  	s21 =	simm.s32 $0x7580  }
0x151: {  	[tilespmem:s21], [sflag:$0x1] =	stream.indirect_vreg.gather [hbm4b:s15+s6], $0x80, v9, vm0, $0xb8;
	[tilespmem:$0x10580] =	vst v63  }
0x152: {  	s18 =	simm.s32 $0x7D80  }
0x153: {  	[tilespmem:s18], [sflag:$0x1] =	stream.indirect_vreg.gather [hbm4b:s16+s6], $0x80, v9, vm0, $0xb8;
	[tilespmem:$0x10580] =	vst v63  }
0x154: {  	v9 =	vld [tilespmem:$0x400];
	_ =	sdelay $0x4  }
0x155: {  	v10 =	vshll.u32 v9, $0x4  }
0x156: {  	v9 =	vand.u32 $0x7, v9;
	v10 =	vand.u32 $0xFFFFFF80, v10  }
0x157: {  	v9 =	vor.u32 v9, v10  }
0x158: {  	v10 =	vperm.xlane v9, v5;
	_ =	sdelay $0x1  }
0x159: {  	v10 =	vadd.s32 v6, v10;
	_ =	sdelay $0x3  }
0x15a: {  	s23 =	simm.s32 $0x8580;
	s1 =	rddreg [dreg:$0x1]  }
0x15b: {  	[tilespmem:s23], [sflag:$0x2] =	stream.indirect_vreg.gather [hbm4b:s1+s6], $0x80, v10, vm0, $0xb8;
	[tilespmem:$0x10580] =	vst v63  }
0x15c: {  	s24 =	simm.s32 $0x8D80;
	s4 =	rddreg [dreg:$0x8]  }
0x15d: {  	[tilespmem:s24], [sflag:$0x2] =	stream.indirect_vreg.gather [hbm4b:s4+s6], $0x80, v10, vm0, $0xb8;
	[tilespmem:$0x10580] =	vst v63  }
0x15e: {  	s8 =	simm.s32 $0x9580;
	s23 =	rddreg [dreg:$0x9]  }
0x15f: {  	[tilespmem:s8], [sflag:$0x2] =	stream.indirect_vreg.gather [hbm4b:s23+s6], $0x80, v10, vm0, $0xb8;
	[tilespmem:$0x10580] =	vst v63  }
0x160: {  	s19 =	simm.s32 $0x9D80;
	s24 =	rddreg [dreg:$0xa]  }
0x161: {  	[tilespmem:s19], [sflag:$0x2] =	stream.indirect_vreg.gather [hbm4b:s24+s6], $0x80, v10, vm0, $0xb8;
	[tilespmem:$0x10580] =	vst v63  }
0x162: {  	s20 =	simm.s32 $0xA580;
	s19 =	rddreg [dreg:$0xb]  }
0x163: {  	[tilespmem:s20], [sflag:$0x2] =	stream.indirect_vreg.gather [hbm4b:s19+s6], $0x80, v10, vm0, $0xb8;
	[tilespmem:$0x10580] =	vst v63  }
0x164: {  	s21 =	simm.s32 $0xAD80;
	v9 =	vperm.xlane v9, v7;
	s20 =	rddreg [dreg:$0xc]  }
0x165: {  	[tilespmem:s21], [sflag:$0x2] =	stream.indirect_vreg.gather [hbm4b:s20+s6], $0x80, v10, vm0, $0xb8;
	[tilespmem:$0x10580] =	vst v63  }
0x166: {  	v9 =	vadd.s32 v6, v9;
	s8 =	simm.s32 $0xB580;
	s21 =	rddreg [dreg:$0xd]  }
0x167: {  	[tilespmem:s8], [sflag:$0x2] =	stream.indirect_vreg.gather [hbm4b:s21+s6], $0x80, v10, vm0, $0xb8;
	[tilespmem:$0x10580] =	vst v63  }
0x168: {  	s3 =	rddreg [dreg:$0xf];
	s8 =	simm.s32 $0xBD80  }
0x169: {  	[tilespmem:s8], [sflag:$0x2] =	stream.indirect_vreg.gather [hbm4b:s3+s6], $0x80, v10, vm0, $0xb8;
	[tilespmem:$0x10580] =	vst v63  }
0x16a: {  	s8 =	simm.s32 $0xC580  }
0x16b: {  	[tilespmem:s8], [sflag:$0x2] =	stream.indirect_vreg.gather [hbm4b:s1+s6], $0x80, v9, vm0, $0xb8;
	[tilespmem:$0x10580] =	vst v63  }
0x16c: {  	s8 =	simm.s32 $0xCD80  }
0x16d: {  	[tilespmem:s8], [sflag:$0x2] =	stream.indirect_vreg.gather [hbm4b:s4+s6], $0x80, v9, vm0, $0xb8;
	[tilespmem:$0x10580] =	vst v63  }
0x16e: {  	s8 =	simm.s32 $0xD580  }
0x16f: {  	[tilespmem:s8], [sflag:$0x2] =	stream.indirect_vreg.gather [hbm4b:s23+s6], $0x80, v9, vm0, $0xb8;
	[tilespmem:$0x10580] =	vst v63  }
0x170: {  	s23 =	simm.s32 $0xDD80  }
0x171: {  	[tilespmem:s23], [sflag:$0x2] =	stream.indirect_vreg.gather [hbm4b:s24+s6], $0x80, v9, vm0, $0xb8;
	[tilespmem:$0x10580] =	vst v63  }
0x172: {  	s24 =	simm.s32 $0xE580  }
0x173: {  	[tilespmem:s24], [sflag:$0x2] =	stream.indirect_vreg.gather [hbm4b:s19+s6], $0x80, v9, vm0, $0xb8;
	[tilespmem:$0x10580] =	vst v63  }
0x174: {  	s19 =	simm.s32 $0xED80  }
0x175: {  	[tilespmem:s19], [sflag:$0x2] =	stream.indirect_vreg.gather [hbm4b:s20+s6], $0x80, v9, vm0, $0xb8;
	[tilespmem:$0x10580] =	vst v63  }
0x176: {  	s20 =	simm.s32 $0xF580  }
0x177: {  	[tilespmem:s20], [sflag:$0x2] =	stream.indirect_vreg.gather [hbm4b:s21+s6], $0x80, v9, vm0, $0xb8;
	[tilespmem:$0x10580] =	vst v63  }
0x178: {  	s4 =	simm.s32 $0x1;
	s21 =	simm.s32 $0xFD80  }
0x179: {  	[tilespmem:s21], [sflag:$0x2] =	stream.indirect_vreg.gather [hbm4b:s3+s6], $0x80, v9, vm0, $0xb8;
	[tilespmem:$0x10580] =	vst v63  }
0x17a: {  	_ =	swait.ge [sflag:s4], $0x8000  }
0x17b: {  	[sflag:s4] =	ssyncset.done $0x0  }
0x17c: {  	[sflag:s4] =	ssyncadd.s32 $0xFFFF8000  }
0x17d: {  	v9 =	vld [tilespmem:$0x480];
	_ =	sdelay $0x4  }
0x17e: {  	v10 =	vshll.u32 v9, $0x4  }
0x17f: {  	v9 =	vand.u32 $0x7, v9;
	v10 =	vand.u32 $0xFFFFFF80, v10  }
0x180: {  	v9 =	vor.u32 v9, v10  }
0x181: {  	v10 =	vperm.xlane v9, v5;
	_ =	sdelay $0x1  }
0x182: {  	v10 =	vadd.s32 v6, v10;
	_ =	sdelay $0x3  }
0x183: {  	s1 =	rddreg [dreg:$0x3]  }
0x184: {  	[hbm4b:s1+s6] =	stream.indirect_vreg.scatter [tilespmem:s25], [sflag:$0x3], $0x80, v10, vm0, $0xb8;
	[tilespmem:$0x10580] =	vst v63  }
0x185: {  	s8 =	simm.s32 $0xD80  }
0x186: {  	[hbm4b:s26+s6] =	stream.indirect_vreg.scatter [tilespmem:s8], [sflag:$0x3], $0x80, v10, vm0, $0xb8;
	[tilespmem:$0x10580] =	vst v63  }
0x187: {  	s25 =	simm.s32 $0x1580  }
0x188: {  	[hbm4b:s28+s6] =	stream.indirect_vreg.scatter [tilespmem:s25], [sflag:$0x3], $0x80, v10, vm0, $0xb8;
	[tilespmem:$0x10580] =	vst v63  }
0x189: {  	s25 =	simm.s32 $0x1D80  }
0x18a: {  	[hbm4b:s29+s6] =	stream.indirect_vreg.scatter [tilespmem:s25], [sflag:$0x3], $0x80, v10, vm0, $0xb8;
	[tilespmem:$0x10580] =	vst v63  }
0x18b: {  	s25 =	simm.s32 $0x2580  }
0x18c: {  	[hbm4b:s30+s6] =	stream.indirect_vreg.scatter [tilespmem:s25], [sflag:$0x3], $0x80, v10, vm0, $0xb8;
	[tilespmem:$0x10580] =	vst v63  }
0x18d: {  	v9 =	vperm.xlane v9, v7;
	s25 =	simm.s32 $0x2D80  }
0x18e: {  	[hbm4b:s31+s6] =	stream.indirect_vreg.scatter [tilespmem:s25], [sflag:$0x3], $0x80, v10, vm0, $0xb8;
	[tilespmem:$0x10580] =	vst v63  }
0x18f: {  	v9 =	vadd.s32 v6, v9;
	s25 =	simm.s32 $0x3580  }
0x190: {  	[hbm4b:s0+s6] =	stream.indirect_vreg.scatter [tilespmem:s25], [sflag:$0x3], $0x80, v10, vm0, $0xb8;
	[tilespmem:$0x10580] =	vst v63  }
0x191: {  	s25 =	simm.s32 $0x3D80  }
0x192: {  	[hbm4b:s5+s6] =	stream.indirect_vreg.scatter [tilespmem:s25], [sflag:$0x3], $0x80, v10, vm0, $0xb8;
	[tilespmem:$0x10580] =	vst v63  }
0x193: {  	s25 =	simm.s32 $0x4580  }
0x194: {  	[hbm4b:s1+s6] =	stream.indirect_vreg.scatter [tilespmem:s25], [sflag:$0x3], $0x80, v9, vm0, $0xb8;
	[tilespmem:$0x10580] =	vst v63  }
0x195: {  	s25 =	simm.s32 $0x4D80  }
0x196: {  	[hbm4b:s26+s6] =	stream.indirect_vreg.scatter [tilespmem:s25], [sflag:$0x3], $0x80, v9, vm0, $0xb8;
	[tilespmem:$0x10580] =	vst v63  }
0x197: {  	s25 =	simm.s32 $0x5580  }
0x198: {  	[hbm4b:s28+s6] =	stream.indirect_vreg.scatter [tilespmem:s25], [sflag:$0x3], $0x80, v9, vm0, $0xb8;
	[tilespmem:$0x10580] =	vst v63  }
0x199: {  	s25 =	simm.s32 $0x5D80  }
0x19a: {  	[hbm4b:s29+s6] =	stream.indirect_vreg.scatter [tilespmem:s25], [sflag:$0x3], $0x80, v9, vm0, $0xb8;
	[tilespmem:$0x10580] =	vst v63  }
0x19b: {  	s25 =	simm.s32 $0x6580  }
0x19c: {  	[hbm4b:s30+s6] =	stream.indirect_vreg.scatter [tilespmem:s25], [sflag:$0x3], $0x80, v9, vm0, $0xb8;
	[tilespmem:$0x10580] =	vst v63  }
0x19d: {  	s25 =	simm.s32 $0x6D80  }
0x19e: {  	[hbm4b:s31+s6] =	stream.indirect_vreg.scatter [tilespmem:s25], [sflag:$0x3], $0x80, v9, vm0, $0xb8;
	[tilespmem:$0x10580] =	vst v63  }
0x19f: {  	s25 =	simm.s32 $0x7580  }
0x1a0: {  	[hbm4b:s0+s6] =	stream.indirect_vreg.scatter [tilespmem:s25], [sflag:$0x3], $0x80, v9, vm0, $0xb8;
	[tilespmem:$0x10580] =	vst v63  }
0x1a1: {  	s25 =	simm.s32 $0x2  }
0x1a2: {  	[hbm4b:s5+s6] =	stream.indirect_vreg.scatter [tilespmem:s18], [sflag:$0x3], $0x80, v9, vm0, $0xb8;
	[tilespmem:$0x10580] =	vst v63  }
0x1a3: {  	_ =	swait.ge [sflag:s25], $0x8000  }
0x1a4: {  	[sflag:s25] =	ssyncset.done $0x0  }
0x1a5: {  	[sflag:s25] =	ssyncadd.s32 $0xFFFF8000  }
0x1a6: {  	v9 =	vld [tilespmem:$0x500];
	_ =	sdelay $0x4  }
0x1a7: {  	v10 =	vshll.u32 v9, $0x4  }
0x1a8: {  	v9 =	vand.u32 $0x7, v9;
	v10 =	vand.u32 $0xFFFFFF80, v10  }
0x1a9: {  	v9 =	vor.u32 v9, v10  }
0x1aa: {  	v10 =	vperm.xlane v9, v5;
	_ =	sdelay $0x1  }
0x1ab: {  	v10 =	vadd.s32 v6, v10;
	_ =	sdelay $0x3  }
0x1ac: {  	s3 =	simm.s32 $0x8580  }
0x1ad: {  	[hbm4b:s1+s6] =	stream.indirect_vreg.scatter [tilespmem:s3], [sflag:$0x4], $0x80, v10, vm0, $0xb8;
	[tilespmem:$0x10580] =	vst v63  }
0x1ae: {  	s18 =	simm.s32 $0x8D80  }
0x1af: {  	[hbm4b:s26+s6] =	stream.indirect_vreg.scatter [tilespmem:s18], [sflag:$0x4], $0x80, v10, vm0, $0xb8;
	[tilespmem:$0x10580] =	vst v63  }
0x1b0: {  	s25 =	simm.s32 $0x9580  }
0x1b1: {  	[hbm4b:s28+s6] =	stream.indirect_vreg.scatter [tilespmem:s25], [sflag:$0x4], $0x80, v10, vm0, $0xb8;
	[tilespmem:$0x10580] =	vst v63  }
0x1b2: {  	s4 =	simm.s32 $0x9D80  }
0x1b3: {  	[hbm4b:s29+s6] =	stream.indirect_vreg.scatter [tilespmem:s4], [sflag:$0x4], $0x80, v10, vm0, $0xb8;
	[tilespmem:$0x10580] =	vst v63  }
0x1b4: {  	s18 =	simm.s32 $0xA580  }
0x1b5: {  	[hbm4b:s30+s6] =	stream.indirect_vreg.scatter [tilespmem:s18], [sflag:$0x4], $0x80, v10, vm0, $0xb8;
	[tilespmem:$0x10580] =	vst v63  }
0x1b6: {  	v9 =	vperm.xlane v9, v7;
	s25 =	simm.s32 $0xAD80  }
0x1b7: {  	[hbm4b:s31+s6] =	stream.indirect_vreg.scatter [tilespmem:s25], [sflag:$0x4], $0x80, v10, vm0, $0xb8;
	[tilespmem:$0x10580] =	vst v63  }
0x1b8: {  	v9 =	vadd.s32 v6, v9;
	s4 =	simm.s32 $0xB580  }
0x1b9: {  	[hbm4b:s0+s6] =	stream.indirect_vreg.scatter [tilespmem:s4], [sflag:$0x4], $0x80, v10, vm0, $0xb8;
	[tilespmem:$0x10580] =	vst v63  }
0x1ba: {  	s18 =	simm.s32 $0xBD80  }
0x1bb: {  	[hbm4b:s5+s6] =	stream.indirect_vreg.scatter [tilespmem:s18], [sflag:$0x4], $0x80, v10, vm0, $0xb8;
	[tilespmem:$0x10580] =	vst v63  }
0x1bc: {  	s25 =	simm.s32 $0xC580  }
0x1bd: {  	[hbm4b:s1+s6] =	stream.indirect_vreg.scatter [tilespmem:s25], [sflag:$0x4], $0x80, v9, vm0, $0xb8;
	[tilespmem:$0x10580] =	vst v63  }
0x1be: {  	s4 =	simm.s32 $0xCD80  }
0x1bf: {  	[hbm4b:s26+s6] =	stream.indirect_vreg.scatter [tilespmem:s4], [sflag:$0x4], $0x80, v9, vm0, $0xb8;
	[tilespmem:$0x10580] =	vst v63  }
0x1c0: {  	s18 =	simm.s32 $0xD580  }
0x1c1: {  	[hbm4b:s28+s6] =	stream.indirect_vreg.scatter [tilespmem:s18], [sflag:$0x4], $0x80, v9, vm0, $0xb8;
	[tilespmem:$0x10580] =	vst v63  }
0x1c2: {  	_ = 	snop  }
0x1c3: {  	[hbm4b:s29+s6] =	stream.indirect_vreg.scatter [tilespmem:s23], [sflag:$0x4], $0x80, v9, vm0, $0xb8;
	[tilespmem:$0x10580] =	vst v63  }
0x1c4: {  	_ = 	snop  }
0x1c5: {  	[hbm4b:s30+s6] =	stream.indirect_vreg.scatter [tilespmem:s24], [sflag:$0x4], $0x80, v9, vm0, $0xb8;
	[tilespmem:$0x10580] =	vst v63  }
0x1c6: {  	_ = 	snop  }
0x1c7: {  	[hbm4b:s31+s6] =	stream.indirect_vreg.scatter [tilespmem:s19], [sflag:$0x4], $0x80, v9, vm0, $0xb8;
	[tilespmem:$0x10580] =	vst v63  }
0x1c8: {  	_ = 	snop  }
0x1c9: {  	[hbm4b:s0+s6] =	stream.indirect_vreg.scatter [tilespmem:s20], [sflag:$0x4], $0x80, v9, vm0, $0xb8;
	[tilespmem:$0x10580] =	vst v63  }
0x1ca: {  	s24 =	simm.s32 $0x3  }
0x1cb: {  	[hbm4b:s5+s6] =	stream.indirect_vreg.scatter [tilespmem:s21], [sflag:$0x4], $0x80, v9, vm0, $0xb8;
	[tilespmem:$0x10580] =	vst v63  }
0x1cc: {  	_ =	swait.ge [sflag:s24], $0x8000  }
.Ltmp6:
0x1cd: {  	[sflag:s24] =	ssyncset.done $0x0;
	(pc) =	sbr.rel .LBB2_9-.Ltmp6, $4  }
0x1ce: {  	s25 =	simm.s32 $0x4;
	[sflag:s24] =	ssyncadd.s32 $0xFFFF8000  }
0x1cf: {  	_ =	swait.ge [sflag:s25], $0x8000  }
0x1d0: {  	[sflag:s25] =	ssyncset.done $0x0  }
0x1d1: {  	s8 =	simm.s32 $0x5;
	[sflag:s25] =	ssyncadd.s32 $0xFFFF8000  }
.LBB2_10:
0x1d2: {  	_ =	sfence.sel $0x180000  }
0x1d3: {  	[bflag:$0x0] =	sbarrier.arrive $0xFFFF  }
0x1d4: {  	_ =	strace $0x90000047  }
0x1d5: {  	s0 =	stileid.u32;
	[bflag:$0x2] =	sbarrier.arrive $0xFFFF  }
0x1d6: {  	p0 =	sne.s32 s0, $0x0;
	s0 =	rddreg [dreg:$0x4]  }
0x1d7: {  	s0 =	sadd.s32 @!p0 $0x100000, s0  }
0x1d8: {  	[sflag:s0] =	ssyncadd.tile.s32 @!p0 $0x1;
	_ =	shalt  }
.Lfunc_end2:
_tile_overlayer_lowered:
.L_overlay_start_2:
0x1d9: {  	(tag) =	ssettag $0x2  }
0x1da: {  	s0 =	rddreg [dreg:$0x0];
	s2 =	stileid.u32  }
0x1db: {  	s1 =	rddreg [dreg:$0x1];
	p0 =	sne.s32 s2, $0x0  }
0x1dc: {  	s3 =	rddreg [dreg:$0x2];
	[bflag:$0x3] =	sbarrier.arrive $0xFFFF;
	s2 =	simm.s32 @!p0 $0x1C05  }
0x1dd: {  	[timem:s3], [sflag:s2] =	dma.local @!p0 [hbm:s0], s1  }
0x1de: {  	s0 =	simm.s32 @!p0 $0x5  }
0x1df: {  	_ =	swait.ge @!p0 [sflag:s0], s1  }
0x1e0: {  	s1 =	ssub.s32 @!p0 $0x0, s1;
	[sflag:s0] =	ssyncset.done @!p0 $0x0  }
0x1e1: {  	[sflag:s0] =	ssyncadd.s32 @!p0 s1  }
0x1e2: {  	[bflag:$0x3] =	sbarrier.arrive $0xFFFF  }
0x1e3: {  	_ =	shalt  }

</sc_bundles>
